<compile_context>
chip_gen: v7x
topology: tpu7x:2x2x1
jax: 0.10.2.dev20260603
libtpu: 0.0.44.dev20260713+nightly
codegen_flags: <defaults>
</compile_context>

<pallas_src>
import jax
import jax.numpy as jnp
import numpy as np
from jax import lax
from jax.experimental import pallas as pl
from jax.experimental.pallas import tpu as pltpu
from jax.experimental.pallas import tpu_sc as plsc

N = 10000
DIM = 128
HID = 128
E = 320000
EPS = 1e-7

BLK = 1000
GRID = N // BLK

NS = 16
CHUNK = 128
K = 158
EPT = K * CHUNK
EPAD = NS * EPT
NPAD = 10240
RPT = NPAD // NS


_PAD_SRC = np.zeros((EPAD - E,), np.int32)
_PAD_DST = np.full((EPAD - E,), N, np.int32)
_ZEROS = np.zeros((NPAD, HID), np.float32)


def _stage_in_body(x_ref, w_ref, b_ref, t_ref, h_ref, tab_ref):
    h = jnp.dot(x_ref[...], w_ref[...], preferred_element_type=jnp.float32)
    h = h + b_ref[...]
    h_ref[...] = h
    m = jnp.maximum(h, 0.0) + EPS
    p = jnp.exp(t_ref[0, 0] * m)
    tab_ref[0] = p
    tab_ref[1] = m * p


def _stage_in(x, w, b, t):
    return pl.pallas_call(
        _stage_in_body,
        grid=(GRID,),
        in_specs=[
            pl.BlockSpec((BLK, DIM), lambda i: (i, 0)),
            pl.BlockSpec((DIM, HID), lambda i: (0, 0)),
            pl.BlockSpec((1, HID), lambda i: (0, 0)),
            pl.BlockSpec((1, 1), lambda i: (0, 0)),
        ],
        out_specs=[
            pl.BlockSpec((BLK, HID), lambda i: (i, 0)),
            pl.BlockSpec((2, BLK, HID), lambda i: (0, i, 0)),
        ],
        out_shape=[
            jax.ShapeDtypeStruct((N, HID), jnp.float32),
            jax.ShapeDtypeStruct((2, N, HID), jnp.float32),
        ],
    )(x, w, b, t)


def _sc_body(tab_ref, idx0_ref, idx1_ref, dsti_ref, zeros_ref, out_ref,
             src_v, dst_v, buf0, buf1, acc_sh, gsem, isem):
    c = lax.axis_index("c")
    s = lax.axis_index("s")

    pltpu.sync_copy(zeros_ref.at[pl.ds(s * RPT, RPT)],
                    acc_sh.at[pl.ds(s * RPT, RPT)])
    plsc.subcore_barrier()

    def load_idx(kk, p):
        @pl.when(c == 0)
        def _():
            pltpu.async_copy(idx0_ref.at[s, kk], src_v.at[p], isem)

        @pl.when(c == 1)
        def _():
            pltpu.async_copy(idx1_ref.at[s, kk], src_v.at[p], isem)

        pltpu.async_copy(dsti_ref.at[s, kk], dst_v.at[p], isem)

    def wait_idx(kk, p):
        pltpu.make_async_copy(idx0_ref.at[s, kk], src_v.at[p], isem).wait()
        pltpu.make_async_copy(dsti_ref.at[s, kk], dst_v.at[p], isem).wait()

    load_idx(0, 0)
    wait_idx(0, 0)
    pltpu.async_copy(tab_ref.at[src_v.at[0]], buf0, gsem)
    load_idx(1, 1)

    def half(kk, j, cbuf, nbuf):
        @pl.when(kk + 1 < K)
        def _():
            wait_idx(kk + 1, 1 - j)
            pltpu.async_copy(tab_ref.at[src_v.at[1 - j]], nbuf, gsem)

        pltpu.make_async_copy(tab_ref.at[src_v.at[j]], cbuf, gsem).wait()
        pltpu.sync_copy(cbuf, acc_sh.at[dst_v.at[j]], add=True)

        @pl.when(kk + 2 < K)
        def _():
            load_idx(kk + 2, j)

    def body(i, carry):
        k = 2 * i
        half(k, 0, buf0, buf1)
        half(k + 1, 1, buf1, buf0)
        return carry

    lax.fori_loop(0, K // 2, body, 0)
    plsc.subcore_barrier()
    pltpu.sync_copy(acc_sh.at[pl.ds(s * RPT, RPT)],
                    out_ref.at[c, pl.ds(s * RPT, RPT)])


def _segment_sums(tab, idx0, idx1, dsti, zeros):
    mesh = plsc.VectorSubcoreMesh(core_axis_name="c", subcore_axis_name="s")
    f = pl.kernel(
        _sc_body,
        out_type=jax.ShapeDtypeStruct((2, NPAD, HID), jnp.float32),
        mesh=mesh,
        scratch_types=[
            pltpu.VMEM((2, CHUNK), jnp.int32),
            pltpu.VMEM((2, CHUNK), jnp.int32),
            pltpu.VMEM((CHUNK, HID), jnp.float32),
            pltpu.VMEM((CHUNK, HID), jnp.float32),
            pltpu.VMEM_SHARED((NPAD, HID), jnp.float32),
            pltpu.SemaphoreType.DMA,
            pltpu.SemaphoreType.DMA,
        ],
    )
    return f(tab, idx0, idx1, dsti, zeros)


def _mlp1_body(h_ref, sp_ref, sq_ref, w1_ref, b1_ref, h1_ref, st_ref):
    agg = sq_ref[...] / (sp_ref[...] + 1e-16) + h_ref[...]
    h1 = jnp.dot(agg, w1_ref[...], preferred_element_type=jnp.float32)
    h1 = h1 + b1_ref[...]
    h1_ref[...] = h1
    stats = jnp.stack([jnp.sum(h1, axis=0), jnp.sum(h1 * h1, axis=0)])
    i = pl.program_id(0)

    @pl.when(i == 0)
    def _():
        st_ref[...] = stats

    @pl.when(i > 0)
    def _():
        st_ref[...] += stats


def _mlp1(h, sp, sq, w1, b1):
    return pl.pallas_call(
        _mlp1_body,
        grid=(GRID,),
        in_specs=[
            pl.BlockSpec((BLK, HID), lambda i: (i, 0)),
            pl.BlockSpec((BLK, HID), lambda i: (i, 0)),
            pl.BlockSpec((BLK, HID), lambda i: (i, 0)),
            pl.BlockSpec((HID, 2 * HID), lambda i: (0, 0)),
            pl.BlockSpec((1, 2 * HID), lambda i: (0, 0)),
        ],
        out_specs=[
            pl.BlockSpec((BLK, 2 * HID), lambda i: (i, 0)),
            pl.BlockSpec((2, 2 * HID), lambda i: (0, 0)),
        ],
        out_shape=[
            jax.ShapeDtypeStruct((N, 2 * HID), jnp.float32),
            jax.ShapeDtypeStruct((2, 2 * HID), jnp.float32),
        ],
    )(h, sp, sq, w1, b1)


def _finish_block(h1, st, bng, bnb, w2, b2, lng, lnb, x):
    mean = st[0] * (1.0 / N)
    var = st[1] * (1.0 / N) - mean * mean
    hn = (h1 - mean) * lax.rsqrt(var + 1e-5) * bng + bnb
    hn = jnp.maximum(hn, 0.0)
    h2 = jnp.dot(hn, w2, preferred_element_type=jnp.float32) + b2
    m = jnp.mean(h2, axis=-1, keepdims=True)
    v = jnp.mean(h2 * h2, axis=-1, keepdims=True) - m * m
    ln = (h2 - m) * lax.rsqrt(v + 1e-5) * lng + lnb
    return x + jnp.maximum(ln, 0.0)


def _mlp2_mid_body(h1_ref, st_ref, bng_ref, bnb_ref, w2_ref, b2_ref,
                   lng_ref, lnb_ref, x_ref, t_ref, xo_ref, tab_ref):
    xo = _finish_block(h1_ref[...], st_ref[...], bng_ref[...], bnb_ref[...],
                       w2_ref[...], b2_ref[...], lng_ref[...], lnb_ref[...],
                       x_ref[...])
    xo_ref[...] = xo
    m = jnp.maximum(xo, 0.0) + EPS
    p = jnp.exp(t_ref[0, 0] * m)
    tab_ref[0] = p
    tab_ref[1] = m * p


def _mlp2_mid(h1, st, bng, bnb, w2, b2, lng, lnb, x, t):
    return pl.pallas_call(
        _mlp2_mid_body,
        grid=(GRID,),
        in_specs=[
            pl.BlockSpec((BLK, 2 * HID), lambda i: (i, 0)),
            pl.BlockSpec((2, 2 * HID), lambda i: (0, 0)),
            pl.BlockSpec((1, 2 * HID), lambda i: (0, 0)),
            pl.BlockSpec((1, 2 * HID), lambda i: (0, 0)),
            pl.BlockSpec((2 * HID, HID), lambda i: (0, 0)),
            pl.BlockSpec((1, HID), lambda i: (0, 0)),
            pl.BlockSpec((1, HID), lambda i: (0, 0)),
            pl.BlockSpec((1, HID), lambda i: (0, 0)),
            pl.BlockSpec((BLK, HID), lambda i: (i, 0)),
            pl.BlockSpec((1, 1), lambda i: (0, 0)),
        ],
        out_specs=[
            pl.BlockSpec((BLK, HID), lambda i: (i, 0)),
            pl.BlockSpec((2, BLK, HID), lambda i: (0, i, 0)),
        ],
        out_shape=[
            jax.ShapeDtypeStruct((N, HID), jnp.float32),
            jax.ShapeDtypeStruct((2, N, HID), jnp.float32),
        ],
    )(h1, st, bng, bnb, w2, b2, lng, lnb, x, t)


def _mlp2_fin_body(h1_ref, st_ref, bng_ref, bnb_ref, w2_ref, b2_ref,
                   lng_ref, lnb_ref, x_ref, wo_ref, bo_ref, y_ref):
    xo = _finish_block(h1_ref[...], st_ref[...], bng_ref[...], bnb_ref[...],
                       w2_ref[...], b2_ref[...], lng_ref[...], lnb_ref[...],
                       x_ref[...])
    y = jnp.dot(xo, wo_ref[...], preferred_element_type=jnp.float32)
    y_ref[...] = y + bo_ref[...]


def _mlp2_fin(h1, st, bng, bnb, w2, b2, lng, lnb, x, wo, bo):
    return pl.pallas_call(
        _mlp2_fin_body,
        grid=(GRID,),
        in_specs=[
            pl.BlockSpec((BLK, 2 * HID), lambda i: (i, 0)),
            pl.BlockSpec((2, 2 * HID), lambda i: (0, 0)),
            pl.BlockSpec((1, 2 * HID), lambda i: (0, 0)),
            pl.BlockSpec((1, 2 * HID), lambda i: (0, 0)),
            pl.BlockSpec((2 * HID, HID), lambda i: (0, 0)),
            pl.BlockSpec((1, HID), lambda i: (0, 0)),
            pl.BlockSpec((1, HID), lambda i: (0, 0)),
            pl.BlockSpec((1, HID), lambda i: (0, 0)),
            pl.BlockSpec((BLK, HID), lambda i: (i, 0)),
            pl.BlockSpec((HID, HID), lambda i: (0, 0)),
            pl.BlockSpec((1, HID), lambda i: (0, 0)),
        ],
        out_specs=pl.BlockSpec((BLK, HID), lambda i: (i, 0)),
        out_shape=jax.ShapeDtypeStruct((N, HID), jnp.float32),
    )(h1, st, bng, bnb, w2, b2, lng, lnb, x, wo, bo)


def kernel(x, params, edge_index):
    src = edge_index[0]
    dst = edge_index[1]
    src_p = jnp.concatenate([src, _PAD_SRC])
    dst_p = jnp.concatenate([dst, _PAD_DST])
    idx0 = src_p.reshape(NS, K, CHUNK)
    idx1 = (src_p + N).reshape(NS, K, CHUNK)
    dsti = dst_p.reshape(NS, K, CHUNK)
    zeros = _ZEROS

    p0 = params['layer0']
    p1 = params['layer1']
    t0 = p0['t'].reshape(1, 1)
    t1 = p1['t'].reshape(1, 1)

    h0, tab0 = _stage_in(x, params['W_in'], params['b_in'].reshape(1, HID), t0)
    s0 = _segment_sums(tab0.reshape(2 * N, HID), idx0, idx1, dsti, zeros)
    h1, st = _mlp1(h0, s0[0], s0[1], p0['W1'], p0['b1'].reshape(1, 2 * HID))
    x1, tab1 = _mlp2_mid(h1, st, p0['bn_g'].reshape(1, 2 * HID),
                         p0['bn_b'].reshape(1, 2 * HID), p0['W2'],
                         p0['b2'].reshape(1, HID), p0['ln_g'].reshape(1, HID),
                         p0['ln_b'].reshape(1, HID), h0, t1)
    s1 = _segment_sums(tab1.reshape(2 * N, HID), idx0, idx1, dsti, zeros)
    h1b, stb = _mlp1(x1, s1[0], s1[1], p1['W1'], p1['b1'].reshape(1, 2 * HID))
    y = _mlp2_fin(h1b, stb, p1['bn_g'].reshape(1, 2 * HID),
                  p1['bn_b'].reshape(1, 2 * HID), p1['W2'],
                  p1['b2'].reshape(1, HID), p1['ln_g'].reshape(1, HID),
                  p1['ln_b'].reshape(1, HID), x1, params['W_out'],
                  params['b_out'].reshape(1, HID))
    return y

# --- scband reference (transcript-rebuilt; emitter-appended) ---
"""Pipeline reference for scband-deeper-gcnbase-14697378087225 (READ-ONLY COPY).

The authoritative reference and input builder live on the scoring server;
editing this copy changes nothing except your own understanding.
"""

import jax, jax.numpy as jnp
import numpy as np

N = 10000
E = 320000
DIM = 128
HIDDEN = 128
OUT = 128
LAYERS = 2
EPS = 1e-7


def _lin(k, fi, fo):
    bound = 1.0 / np.sqrt(fi)
    kw, kb = jax.random.split(k)
    W = jax.random.uniform(kw, (fi, fo), minval=-bound, maxval=bound, dtype=jnp.float32)
    b = jax.random.uniform(kb, (fo,), minval=-bound, maxval=bound, dtype=jnp.float32)
    return W, b


def _init_params(key):
    ks = jax.random.split(key, 16)
    params = {}
    params['W_in'], params['b_in'] = _lin(ks[0], DIM, HIDDEN)
    for l in range(LAYERS):
        p = {}
        p['t'] = jnp.array(1.0, dtype=jnp.float32)
        p['W1'], p['b1'] = _lin(ks[1 + 2 * l], HIDDEN, 2 * HIDDEN)
        p['bn_g'] = jnp.ones((2 * HIDDEN,), jnp.float32)
        p['bn_b'] = jnp.zeros((2 * HIDDEN,), jnp.float32)
        p['W2'], p['b2'] = _lin(ks[2 + 2 * l], 2 * HIDDEN, HIDDEN)
        p['ln_g'] = jnp.ones((HIDDEN,), jnp.float32)
        p['ln_b'] = jnp.zeros((HIDDEN,), jnp.float32)
        params['layer%d' % l] = p
    params['W_out'], params['b_out'] = _lin(ks[10], HIDDEN, OUT)
    return params


def _genconv(x, edge_index, p):
    # GENConv with softmax aggregation, learnable t, MLP [d, 2d, d] with batch norm
    src = edge_index[0]
    dst = edge_index[1]
    msg = jnp.maximum(x[src], 0.0) + EPS  # message: relu(x_j) + eps
    scaled = msg * p['t']
    seg_max = jax.ops.segment_max(scaled, dst, num_segments=N)
    seg_max = jnp.where(jnp.isfinite(seg_max), seg_max, 0.0)
    seg_max = jax.lax.stop_gradient(seg_max)
    expv = jnp.exp(scaled - seg_max[dst])
    denom = jax.ops.segment_sum(expv, dst, num_segments=N)
    alpha = expv / (denom[dst] + 1e-16)
    out = jax.ops.segment_sum(msg * alpha, dst, num_segments=N)
    out = out + x  # add root
    # MLP: Linear -> BatchNorm (train-mode stats) -> ReLU -> Linear
    h = out @ p['W1'] + p['b1']
    mean = jnp.mean(h, axis=0)
    var = jnp.var(h, axis=0)
    h = (h - mean) / jnp.sqrt(var + 1e-5) * p['bn_g'] + p['bn_b']
    h = jnp.maximum(h, 0.0)
    h = h @ p['W2'] + p['b2']
    return h


def _layernorm(x, g, b):
    m = jnp.mean(x, axis=-1, keepdims=True)
    v = jnp.var(x, axis=-1, keepdims=True)
    return (x - m) / jnp.sqrt(v + 1e-5) * g + b


def _forward(x, params, edge_index):
    x = x @ params['W_in'] + params['b_in']
    for l in range(LAYERS):
        p = params['layer%d' % l]
        out = _genconv(x, edge_index, p)
        out = _layernorm(out, p['ln_g'], p['ln_b'])
        out = jnp.maximum(out, 0.0)
        # dropout: eval mode -> identity
        x = x + out
    # final dropout: eval mode -> identity
    return x @ params['W_out'] + params['b_out']


def setup_inputs(seed: int = 0) -> dict:
    key = jax.random.key(seed)
    k1, k2, k3 = jax.random.split(key, 3)
    x = jax.random.normal(k1, (N, DIM), dtype=jnp.float32)
    edge_index = jax.random.randint(k2, (2, E), 0, N, dtype=jnp.int32)
    params = _init_params(k3)
    return {'x': x, 'params': params, 'edge_index': edge_index}


def reference(x, params, edge_index):
    return _forward(x, params, edge_index)

if __name__ == "__main__":
    import jax
    _d = setup_inputs()
    print(jax.jit(kernel)(*tuple(_d.values())))

</pallas_src>

<mosaic_0001>
#map = affine_map<(d0, d1) -> (0, 0)>
#map1 = affine_map<(d0, d1) -> (0, 0, 0)>
module attributes {stable_mosaic.version = 14 : i64} {
  func.func @_sc_body(%arg0: i32, %arg1: i32, %arg2: memref<20000x128xf32, #tpu.memory_space<hbm>>, %arg3: memref<16x158x128xi32, #tpu.memory_space<hbm>>, %arg4: memref<16x158x128xi32, #tpu.memory_space<hbm>>, %arg5: memref<16x158x128xi32, #tpu.memory_space<hbm>>, %arg6: memref<10240x128xf32, #tpu.memory_space<hbm>>, %arg7: memref<2x10240x128xf32, #tpu.memory_space<hbm>>, %arg8: memref<2x128xi32, #tpu.memory_space<vmem>>, %arg9: memref<2x128xi32, #tpu.memory_space<vmem>>, %arg10: memref<128x128xf32, #tpu.memory_space<vmem>>, %arg11: memref<128x128xf32, #tpu.memory_space<vmem>>, %arg12: memref<10240x128xf32, #tpu.memory_space<vmem_shared>>, %arg13: memref<!tpu.dma_semaphore, #tpu.memory_space<semaphore_mem>>, %arg14: memref<!tpu.dma_semaphore, #tpu.memory_space<semaphore_mem>>) attributes {dimension_semantics = [#tpu.dimension_semantics<core_parallel>, #tpu.dimension_semantics<subcore_parallel>], iteration_bounds = array<i64: 2, 16>, scalar_prefetch = 0 : i64, scratch_operands = 7 : i64, tpu.core_type = #tpu.core_type<sc_vector_subcore>, window_params = [{transform_indices = #map}, {transform_indices = #map1}, {transform_indices = #map1}, {transform_indices = #map1}, {transform_indices = #map}, {transform_indices = #map1}]} {
    %mul3A = arith.constant 640 : i32
    %mul3A_0 = arith.muli %arg1, %mul3A : i32
    %mul3A_1 = arith.constant 640 : i32
    %mul3A_2 = arith.muli %arg1, %mul3A_1 : i32
    "tpu.region"() ({
      %run_scoped3A = tpu.sem_alloc : memref<!tpu.dma_semaphore, #tpu.memory_space<semaphore_mem>>
      %dma_start3A_91 = arith.constant 0 : i32
      %dma_start3A_92 = tpu.memref_slice %arg12[%mul3A_2, %dma_start3A_91] : memref<10240x128xf32, #tpu.memory_space<vmem_shared>> -> memref<640x128xf32, #tpu.memory_space<vmem_shared>>
      %dma_start3A_93 = arith.constant 0 : i32
      %dma_start3A_94 = tpu.memref_slice %arg6[%mul3A_0, %dma_start3A_93] : memref<10240x128xf32, #tpu.memory_space<hbm>> -> memref<640x128xf32, #tpu.memory_space<hbm>>
      tpu.enqueue_dma source(%dma_start3A_94 : memref<640x128xf32, #tpu.memory_space<hbm>>) target(%dma_start3A_92 : memref<640x128xf32, #tpu.memory_space<vmem_shared>>) target_semaphore(%run_scoped3A : memref<!tpu.dma_semaphore, #tpu.memory_space<semaphore_mem>>)
      %dma_wait3A_95 = arith.constant 0 : i32
      %dma_wait3A_96 = tpu.memref_slice %arg12[%mul3A_2, %dma_wait3A_95] : memref<10240x128xf32, #tpu.memory_space<vmem_shared>> -> memref<640x128xf32, #tpu.memory_space<vmem_shared>>
      %dma_wait3A_97 = arith.constant 0 : i32
      %dma_wait3A_98 = tpu.memref_slice %arg6[%mul3A_0, %dma_wait3A_97] : memref<10240x128xf32, #tpu.memory_space<hbm>> -> memref<640x128xf32, #tpu.memory_space<hbm>>
      tpu.wait_dma2 semaphore(%run_scoped3A : memref<!tpu.dma_semaphore, #tpu.memory_space<semaphore_mem>>) src(%dma_wait3A_98 : memref<640x128xf32, #tpu.memory_space<hbm>>) dst(%dma_wait3A_96 : memref<640x128xf32, #tpu.memory_space<vmem_shared>>)
      tpu.yield
    }) : () -> ()
    %barrier3A = arith.constant 0 : index
    tpu.barrier barrier_id(%barrier3A)
    %eq3A = arith.constant 0 : i32
    %eq3A_3 = arith.cmpi eq, %arg0, %eq3A : i32
    %convert_element_type3A = arith.extui %eq3A_3 : i1 to i32
    %cond3A = arith.constant 0 : i32
    %cond3A_4 = arith.cmpi ne, %convert_element_type3A, %cond3A : i32
    scf.if %cond3A_4 {
      %dma_start3A_91 = arith.constant 0 : i32
      %dma_start3A_92 = arith.constant 0 : i32
      %dma_start3A_93 = arith.constant 0 : i32
      %dma_start3A_94 = tpu.memref_slice %arg8[%dma_start3A_92, %dma_start3A_93] : memref<2x128xi32, #tpu.memory_space<vmem>> -> memref<1x128xi32, #tpu.memory_space<vmem>>
      %dma_start3A_95 = tpu.memref_squeeze %dma_start3A_94 : memref<1x128xi32, #tpu.memory_space<vmem>> -> memref<128xi32, #tpu.memory_space<vmem>>
      %dma_start3A_96 = arith.constant 0 : i32
      %dma_start3A_97 = tpu.memref_slice %arg3[%arg1, %dma_start3A_91, %dma_start3A_96] : memref<16x158x128xi32, #tpu.memory_space<hbm>> -> memref<1x1x128xi32, #tpu.memory_space<hbm>>
      %dma_start3A_98 = tpu.memref_squeeze %dma_start3A_97 : memref<1x1x128xi32, #tpu.memory_space<hbm>> -> memref<128xi32, #tpu.memory_space<hbm>>
      %dma_start3A_99 = arith.constant 0 : i32
      %dma_start3A_100 = tpu.memref_slice %arg8[%dma_start3A_92, %dma_start3A_99] : memref<2x128xi32, #tpu.memory_space<vmem>> -> memref<1x128xi32, #tpu.memory_space<vmem>>
      %dma_start3A_101 = tpu.memref_squeeze %dma_start3A_100 : memref<1x128xi32, #tpu.memory_space<vmem>> -> memref<128xi32, #tpu.memory_space<vmem>>
      %dma_start3A_102 = arith.constant 0 : i32
      %dma_start3A_103 = tpu.memref_slice %arg3[%arg1, %dma_start3A_91, %dma_start3A_102] : memref<16x158x128xi32, #tpu.memory_space<hbm>> -> memref<1x1x128xi32, #tpu.memory_space<hbm>>
      %dma_start3A_104 = tpu.memref_squeeze %dma_start3A_103 : memref<1x1x128xi32, #tpu.memory_space<hbm>> -> memref<128xi32, #tpu.memory_space<hbm>>
      tpu.enqueue_dma source(%dma_start3A_104 : memref<128xi32, #tpu.memory_space<hbm>>) target(%dma_start3A_101 : memref<128xi32, #tpu.memory_space<vmem>>) target_semaphore(%arg14 : memref<!tpu.dma_semaphore, #tpu.memory_space<semaphore_mem>>)
    } else {
    }
    %eq3A_5 = arith.constant 1 : i32
    %eq3A_6 = arith.cmpi eq, %arg0, %eq3A_5 : i32
    %convert_element_type3A_7 = arith.extui %eq3A_6 : i1 to i32
    %cond3A_8 = arith.constant 0 : i32
    %cond3A_9 = arith.cmpi ne, %convert_element_type3A_7, %cond3A_8 : i32
    scf.if %cond3A_9 {
      %dma_start3A_91 = arith.constant 0 : i32
      %dma_start3A_92 = arith.constant 0 : i32
      %dma_start3A_93 = arith.constant 0 : i32
      %dma_start3A_94 = tpu.memref_slice %arg8[%dma_start3A_92, %dma_start3A_93] : memref<2x128xi32, #tpu.memory_space<vmem>> -> memref<1x128xi32, #tpu.memory_space<vmem>>
      %dma_start3A_95 = tpu.memref_squeeze %dma_start3A_94 : memref<1x128xi32, #tpu.memory_space<vmem>> -> memref<128xi32, #tpu.memory_space<vmem>>
      %dma_start3A_96 = arith.constant 0 : i32
      %dma_start3A_97 = tpu.memref_slice %arg4[%arg1, %dma_start3A_91, %dma_start3A_96] : memref<16x158x128xi32, #tpu.memory_space<hbm>> -> memref<1x1x128xi32, #tpu.memory_space<hbm>>
      %dma_start3A_98 = tpu.memref_squeeze %dma_start3A_97 : memref<1x1x128xi32, #tpu.memory_space<hbm>> -> memref<128xi32, #tpu.memory_space<hbm>>
      %dma_start3A_99 = arith.constant 0 : i32
      %dma_start3A_100 = tpu.memref_slice %arg8[%dma_start3A_92, %dma_start3A_99] : memref<2x128xi32, #tpu.memory_space<vmem>> -> memref<1x128xi32, #tpu.memory_space<vmem>>
      %dma_start3A_101 = tpu.memref_squeeze %dma_start3A_100 : memref<1x128xi32, #tpu.memory_space<vmem>> -> memref<128xi32, #tpu.memory_space<vmem>>
      %dma_start3A_102 = arith.constant 0 : i32
      %dma_start3A_103 = tpu.memref_slice %arg4[%arg1, %dma_start3A_91, %dma_start3A_102] : memref<16x158x128xi32, #tpu.memory_space<hbm>> -> memref<1x1x128xi32, #tpu.memory_space<hbm>>
      %dma_start3A_104 = tpu.memref_squeeze %dma_start3A_103 : memref<1x1x128xi32, #tpu.memory_space<hbm>> -> memref<128xi32, #tpu.memory_space<hbm>>
      tpu.enqueue_dma source(%dma_start3A_104 : memref<128xi32, #tpu.memory_space<hbm>>) target(%dma_start3A_101 : memref<128xi32, #tpu.memory_space<vmem>>) target_semaphore(%arg14 : memref<!tpu.dma_semaphore, #tpu.memory_space<semaphore_mem>>)
    } else {
    }
    %dma_start3A = arith.constant 0 : i32
    %dma_start3A_10 = arith.constant 0 : i32
    %dma_start3A_11 = arith.constant 0 : i32
    %dma_start3A_12 = tpu.memref_slice %arg9[%dma_start3A_10, %dma_start3A_11] : memref<2x128xi32, #tpu.memory_space<vmem>> -> memref<1x128xi32, #tpu.memory_space<vmem>>
    %dma_start3A_13 = tpu.memref_squeeze %dma_start3A_12 : memref<1x128xi32, #tpu.memory_space<vmem>> -> memref<128xi32, #tpu.memory_space<vmem>>
    %dma_start3A_14 = arith.constant 0 : i32
    %dma_start3A_15 = tpu.memref_slice %arg5[%arg1, %dma_start3A, %dma_start3A_14] : memref<16x158x128xi32, #tpu.memory_space<hbm>> -> memref<1x1x128xi32, #tpu.memory_space<hbm>>
    %dma_start3A_16 = tpu.memref_squeeze %dma_start3A_15 : memref<1x1x128xi32, #tpu.memory_space<hbm>> -> memref<128xi32, #tpu.memory_space<hbm>>
    %dma_start3A_17 = arith.constant 0 : i32
    %dma_start3A_18 = tpu.memref_slice %arg9[%dma_start3A_10, %dma_start3A_17] : memref<2x128xi32, #tpu.memory_space<vmem>> -> memref<1x128xi32, #tpu.memory_space<vmem>>
    %dma_start3A_19 = tpu.memref_squeeze %dma_start3A_18 : memref<1x128xi32, #tpu.memory_space<vmem>> -> memref<128xi32, #tpu.memory_space<vmem>>
    %dma_start3A_20 = arith.constant 0 : i32
    %dma_start3A_21 = tpu.memref_slice %arg5[%arg1, %dma_start3A, %dma_start3A_20] : memref<16x158x128xi32, #tpu.memory_space<hbm>> -> memref<1x1x128xi32, #tpu.memory_space<hbm>>
    %dma_start3A_22 = tpu.memref_squeeze %dma_start3A_21 : memref<1x1x128xi32, #tpu.memory_space<hbm>> -> memref<128xi32, #tpu.memory_space<hbm>>
    tpu.enqueue_dma source(%dma_start3A_22 : memref<128xi32, #tpu.memory_space<hbm>>) target(%dma_start3A_19 : memref<128xi32, #tpu.memory_space<vmem>>) target_semaphore(%arg14 : memref<!tpu.dma_semaphore, #tpu.memory_space<semaphore_mem>>)
    %dma_wait3A = arith.constant 0 : i32
    %dma_wait3A_23 = arith.constant 0 : i32
    %dma_wait3A_24 = arith.constant 0 : i32
    %dma_wait3A_25 = tpu.memref_slice %arg8[%dma_wait3A_23, %dma_wait3A_24] : memref<2x128xi32, #tpu.memory_space<vmem>> -> memref<1x128xi32, #tpu.memory_space<vmem>>
    %dma_wait3A_26 = tpu.memref_squeeze %dma_wait3A_25 : memref<1x128xi32, #tpu.memory_space<vmem>> -> memref<128xi32, #tpu.memory_space<vmem>>
    %dma_wait3A_27 = arith.constant 0 : i32
    %dma_wait3A_28 = tpu.memref_slice %arg3[%arg1, %dma_wait3A, %dma_wait3A_27] : memref<16x158x128xi32, #tpu.memory_space<hbm>> -> memref<1x1x128xi32, #tpu.memory_space<hbm>>
    %dma_wait3A_29 = tpu.memref_squeeze %dma_wait3A_28 : memref<1x1x128xi32, #tpu.memory_space<hbm>> -> memref<128xi32, #tpu.memory_space<hbm>>
    %dma_wait3A_30 = arith.constant 0 : i32
    %dma_wait3A_31 = tpu.memref_slice %arg8[%dma_wait3A_23, %dma_wait3A_30] : memref<2x128xi32, #tpu.memory_space<vmem>> -> memref<1x128xi32, #tpu.memory_space<vmem>>
    %dma_wait3A_32 = tpu.memref_squeeze %dma_wait3A_31 : memref<1x128xi32, #tpu.memory_space<vmem>> -> memref<128xi32, #tpu.memory_space<vmem>>
    %dma_wait3A_33 = arith.constant 0 : i32
    %dma_wait3A_34 = tpu.memref_slice %arg3[%arg1, %dma_wait3A, %dma_wait3A_33] : memref<16x158x128xi32, #tpu.memory_space<hbm>> -> memref<1x1x128xi32, #tpu.memory_space<hbm>>
    %dma_wait3A_35 = tpu.memref_squeeze %dma_wait3A_34 : memref<1x1x128xi32, #tpu.memory_space<hbm>> -> memref<128xi32, #tpu.memory_space<hbm>>
    tpu.wait_dma2 semaphore(%arg14 : memref<!tpu.dma_semaphore, #tpu.memory_space<semaphore_mem>>) src(%dma_wait3A_35 : memref<128xi32, #tpu.memory_space<hbm>>) dst(%dma_wait3A_32 : memref<128xi32, #tpu.memory_space<vmem>>)
    %dma_wait3A_36 = arith.constant 0 : i32
    %dma_wait3A_37 = arith.constant 0 : i32
    %dma_wait3A_38 = arith.constant 0 : i32
    %dma_wait3A_39 = tpu.memref_slice %arg9[%dma_wait3A_37, %dma_wait3A_38] : memref<2x128xi32, #tpu.memory_space<vmem>> -> memref<1x128xi32, #tpu.memory_space<vmem>>
    %dma_wait3A_40 = tpu.memref_squeeze %dma_wait3A_39 : memref<1x128xi32, #tpu.memory_space<vmem>> -> memref<128xi32, #tpu.memory_space<vmem>>
    %dma_wait3A_41 = arith.constant 0 : i32
    %dma_wait3A_42 = tpu.memref_slice %arg5[%arg1, %dma_wait3A_36, %dma_wait3A_41] : memref<16x158x128xi32, #tpu.memory_space<hbm>> -> memref<1x1x128xi32, #tpu.memory_space<hbm>>
    %dma_wait3A_43 = tpu.memref_squeeze %dma_wait3A_42 : memref<1x1x128xi32, #tpu.memory_space<hbm>> -> memref<128xi32, #tpu.memory_space<hbm>>
    %dma_wait3A_44 = arith.constant 0 : i32
    %dma_wait3A_45 = tpu.memref_slice %arg9[%dma_wait3A_37, %dma_wait3A_44] : memref<2x128xi32, #tpu.memory_space<vmem>> -> memref<1x128xi32, #tpu.memory_space<vmem>>
    %dma_wait3A_46 = tpu.memref_squeeze %dma_wait3A_45 : memref<1x128xi32, #tpu.memory_space<vmem>> -> memref<128xi32, #tpu.memory_space<vmem>>
    %dma_wait3A_47 = arith.constant 0 : i32
    %dma_wait3A_48 = tpu.memref_slice %arg5[%arg1, %dma_wait3A_36, %dma_wait3A_47] : memref<16x158x128xi32, #tpu.memory_space<hbm>> -> memref<1x1x128xi32, #tpu.memory_space<hbm>>
    %dma_wait3A_49 = tpu.memref_squeeze %dma_wait3A_48 : memref<1x1x128xi32, #tpu.memory_space<hbm>> -> memref<128xi32, #tpu.memory_space<hbm>>
    tpu.wait_dma2 semaphore(%arg14 : memref<!tpu.dma_semaphore, #tpu.memory_space<semaphore_mem>>) src(%dma_wait3A_49 : memref<128xi32, #tpu.memory_space<hbm>>) dst(%dma_wait3A_46 : memref<128xi32, #tpu.memory_space<vmem>>)
    %dma_start3A_50 = arith.constant 0 : i32
    %dma_start3A_51 = arith.constant 0 : i32
    %dma_start3A_52 = tpu.memref_slice %arg8[%dma_start3A_50, %dma_start3A_51] : memref<2x128xi32, #tpu.memory_space<vmem>> -> memref<1x128xi32, #tpu.memory_space<vmem>>
    %dma_start3A_53 = tpu.memref_squeeze %dma_start3A_52 : memref<1x128xi32, #tpu.memory_space<vmem>> -> memref<128xi32, #tpu.memory_space<vmem>>
    %dma_start3A_54 = arith.constant 0 : i32
    %dma_start3A_55 = arith.constant 0 : i32
    %dma_start3A_56 = tpu.memref_slice %arg2[%dma_start3A_54, %dma_start3A_55] : memref<20000x128xf32, #tpu.memory_space<hbm>> -> memref<20000x128xf32, #tpu.memory_space<hbm>>
    tpu.enqueue_indirect_dma source(%dma_start3A_56 : memref<20000x128xf32, #tpu.memory_space<hbm>>) target(%arg10 : memref<128x128xf32, #tpu.memory_space<vmem>>) offsets(%dma_start3A_53 : memref<128xi32, #tpu.memory_space<vmem>>) semaphore(%arg13 : memref<!tpu.dma_semaphore, #tpu.memory_space<semaphore_mem>>)
    %eq3A_57 = arith.constant 0 : i32
    %eq3A_58 = arith.cmpi eq, %arg0, %eq3A_57 : i32
    %convert_element_type3A_59 = arith.extui %eq3A_58 : i1 to i32
    %cond3A_60 = arith.constant 0 : i32
    %cond3A_61 = arith.cmpi ne, %convert_element_type3A_59, %cond3A_60 : i32
    scf.if %cond3A_61 {
      %dma_start3A_91 = arith.constant 1 : i32
      %dma_start3A_92 = arith.constant 1 : i32
      %dma_start3A_93 = arith.constant 0 : i32
      %dma_start3A_94 = tpu.memref_slice %arg8[%dma_start3A_92, %dma_start3A_93] : memref<2x128xi32, #tpu.memory_space<vmem>> -> memref<1x128xi32, #tpu.memory_space<vmem>>
      %dma_start3A_95 = tpu.memref_squeeze %dma_start3A_94 : memref<1x128xi32, #tpu.memory_space<vmem>> -> memref<128xi32, #tpu.memory_space<vmem>>
      %dma_start3A_96 = arith.constant 0 : i32
      %dma_start3A_97 = tpu.memref_slice %arg3[%arg1, %dma_start3A_91, %dma_start3A_96] : memref<16x158x128xi32, #tpu.memory_space<hbm>> -> memref<1x1x128xi32, #tpu.memory_space<hbm>>
      %dma_start3A_98 = tpu.memref_squeeze %dma_start3A_97 : memref<1x1x128xi32, #tpu.memory_space<hbm>> -> memref<128xi32, #tpu.memory_space<hbm>>
      %dma_start3A_99 = arith.constant 0 : i32
      %dma_start3A_100 = tpu.memref_slice %arg8[%dma_start3A_92, %dma_start3A_99] : memref<2x128xi32, #tpu.memory_space<vmem>> -> memref<1x128xi32, #tpu.memory_space<vmem>>
      %dma_start3A_101 = tpu.memref_squeeze %dma_start3A_100 : memref<1x128xi32, #tpu.memory_space<vmem>> -> memref<128xi32, #tpu.memory_space<vmem>>
      %dma_start3A_102 = arith.constant 0 : i32
      %dma_start3A_103 = tpu.memref_slice %arg3[%arg1, %dma_start3A_91, %dma_start3A_102] : memref<16x158x128xi32, #tpu.memory_space<hbm>> -> memref<1x1x128xi32, #tpu.memory_space<hbm>>
      %dma_start3A_104 = tpu.memref_squeeze %dma_start3A_103 : memref<1x1x128xi32, #tpu.memory_space<hbm>> -> memref<128xi32, #tpu.memory_space<hbm>>
      tpu.enqueue_dma source(%dma_start3A_104 : memref<128xi32, #tpu.memory_space<hbm>>) target(%dma_start3A_101 : memref<128xi32, #tpu.memory_space<vmem>>) target_semaphore(%arg14 : memref<!tpu.dma_semaphore, #tpu.memory_space<semaphore_mem>>)
    } else {
    }
    %eq3A_62 = arith.constant 1 : i32
    %eq3A_63 = arith.cmpi eq, %arg0, %eq3A_62 : i32
    %convert_element_type3A_64 = arith.extui %eq3A_63 : i1 to i32
    %cond3A_65 = arith.constant 0 : i32
    %cond3A_66 = arith.cmpi ne, %convert_element_type3A_64, %cond3A_65 : i32
    scf.if %cond3A_66 {
      %dma_start3A_91 = arith.constant 1 : i32
      %dma_start3A_92 = arith.constant 1 : i32
      %dma_start3A_93 = arith.constant 0 : i32
      %dma_start3A_94 = tpu.memref_slice %arg8[%dma_start3A_92, %dma_start3A_93] : memref<2x128xi32, #tpu.memory_space<vmem>> -> memref<1x128xi32, #tpu.memory_space<vmem>>
      %dma_start3A_95 = tpu.memref_squeeze %dma_start3A_94 : memref<1x128xi32, #tpu.memory_space<vmem>> -> memref<128xi32, #tpu.memory_space<vmem>>
      %dma_start3A_96 = arith.constant 0 : i32
      %dma_start3A_97 = tpu.memref_slice %arg4[%arg1, %dma_start3A_91, %dma_start3A_96] : memref<16x158x128xi32, #tpu.memory_space<hbm>> -> memref<1x1x128xi32, #tpu.memory_space<hbm>>
      %dma_start3A_98 = tpu.memref_squeeze %dma_start3A_97 : memref<1x1x128xi32, #tpu.memory_space<hbm>> -> memref<128xi32, #tpu.memory_space<hbm>>
      %dma_start3A_99 = arith.constant 0 : i32
      %dma_start3A_100 = tpu.memref_slice %arg8[%dma_start3A_92, %dma_start3A_99] : memref<2x128xi32, #tpu.memory_space<vmem>> -> memref<1x128xi32, #tpu.memory_space<vmem>>
      %dma_start3A_101 = tpu.memref_squeeze %dma_start3A_100 : memref<1x128xi32, #tpu.memory_space<vmem>> -> memref<128xi32, #tpu.memory_space<vmem>>
      %dma_start3A_102 = arith.constant 0 : i32
      %dma_start3A_103 = tpu.memref_slice %arg4[%arg1, %dma_start3A_91, %dma_start3A_102] : memref<16x158x128xi32, #tpu.memory_space<hbm>> -> memref<1x1x128xi32, #tpu.memory_space<hbm>>
      %dma_start3A_104 = tpu.memref_squeeze %dma_start3A_103 : memref<1x1x128xi32, #tpu.memory_space<hbm>> -> memref<128xi32, #tpu.memory_space<hbm>>
      tpu.enqueue_dma source(%dma_start3A_104 : memref<128xi32, #tpu.memory_space<hbm>>) target(%dma_start3A_101 : memref<128xi32, #tpu.memory_space<vmem>>) target_semaphore(%arg14 : memref<!tpu.dma_semaphore, #tpu.memory_space<semaphore_mem>>)
    } else {
    }
    %dma_start3A_67 = arith.constant 1 : i32
    %dma_start3A_68 = arith.constant 1 : i32
    %dma_start3A_69 = arith.constant 0 : i32
    %dma_start3A_70 = tpu.memref_slice %arg9[%dma_start3A_68, %dma_start3A_69] : memref<2x128xi32, #tpu.memory_space<vmem>> -> memref<1x128xi32, #tpu.memory_space<vmem>>
    %dma_start3A_71 = tpu.memref_squeeze %dma_start3A_70 : memref<1x128xi32, #tpu.memory_space<vmem>> -> memref<128xi32, #tpu.memory_space<vmem>>
    %dma_start3A_72 = arith.constant 0 : i32
    %dma_start3A_73 = tpu.memref_slice %arg5[%arg1, %dma_start3A_67, %dma_start3A_72] : memref<16x158x128xi32, #tpu.memory_space<hbm>> -> memref<1x1x128xi32, #tpu.memory_space<hbm>>
    %dma_start3A_74 = tpu.memref_squeeze %dma_start3A_73 : memref<1x1x128xi32, #tpu.memory_space<hbm>> -> memref<128xi32, #tpu.memory_space<hbm>>
    %dma_start3A_75 = arith.constant 0 : i32
    %dma_start3A_76 = tpu.memref_slice %arg9[%dma_start3A_68, %dma_start3A_75] : memref<2x128xi32, #tpu.memory_space<vmem>> -> memref<1x128xi32, #tpu.memory_space<vmem>>
    %dma_start3A_77 = tpu.memref_squeeze %dma_start3A_76 : memref<1x128xi32, #tpu.memory_space<vmem>> -> memref<128xi32, #tpu.memory_space<vmem>>
    %dma_start3A_78 = arith.constant 0 : i32
    %dma_start3A_79 = tpu.memref_slice %arg5[%arg1, %dma_start3A_67, %dma_start3A_78] : memref<16x158x128xi32, #tpu.memory_space<hbm>> -> memref<1x1x128xi32, #tpu.memory_space<hbm>>
    %dma_start3A_80 = tpu.memref_squeeze %dma_start3A_79 : memref<1x1x128xi32, #tpu.memory_space<hbm>> -> memref<128xi32, #tpu.memory_space<hbm>>
    tpu.enqueue_dma source(%dma_start3A_80 : memref<128xi32, #tpu.memory_space<hbm>>) target(%dma_start3A_77 : memref<128xi32, #tpu.memory_space<vmem>>) target_semaphore(%arg14 : memref<!tpu.dma_semaphore, #tpu.memory_space<semaphore_mem>>)
    %scan3A = arith.constant 0 : i32
    %scan3A_81 = arith.constant 0 : i32
    %scan3A_82 = arith.constant 79 : i32
    %scan3A_83 = arith.addi %scan3A_81, %scan3A_82 : i32
    %scan3A_84 = arith.constant 1 : i32
    scf.for %scan3A_91 = %scan3A_81 to %scan3A_83 step %scan3A_84  : i32 {
      %mul3A_92 = arith.constant 2 : i32
      %mul3A_93 = arith.muli %mul3A_92, %scan3A_91 : i32
      %add3A = arith.constant 1 : i32
      %add3A_94 = arith.addi %mul3A_93, %add3A : i32
      %lt3A = arith.constant 158 : i32
      %lt3A_95 = arith.cmpi slt, %add3A_94, %lt3A : i32
      %convert_element_type3A_96 = arith.extui %lt3A_95 : i1 to i32
      %cond3A_97 = arith.constant 0 : i32
      %cond3A_98 = arith.cmpi ne, %convert_element_type3A_96, %cond3A_97 : i32
      scf.if %cond3A_98 {
        %add3A_137 = arith.constant 1 : i32
        %add3A_138 = arith.addi %mul3A_93, %add3A_137 : i32
        %dma_wait3A_139 = arith.constant 1 : i32
        %dma_wait3A_140 = arith.constant 0 : i32
        %dma_wait3A_141 = tpu.memref_slice %arg8[%dma_wait3A_139, %dma_wait3A_140] : memref<2x128xi32, #tpu.memory_space<vmem>> -> memref<1x128xi32, #tpu.memory_space<vmem>>
        %dma_wait3A_142 = tpu.memref_squeeze %dma_wait3A_141 : memref<1x128xi32, #tpu.memory_space<vmem>> -> memref<128xi32, #tpu.memory_space<vmem>>
        %dma_wait3A_143 = arith.constant 0 : i32
        %dma_wait3A_144 = tpu.memref_slice %arg3[%arg1, %add3A_138, %dma_wait3A_143] : memref<16x158x128xi32, #tpu.memory_space<hbm>> -> memref<1x1x128xi32, #tpu.memory_space<hbm>>
        %dma_wait3A_145 = tpu.memref_squeeze %dma_wait3A_144 : memref<1x1x128xi32, #tpu.memory_space<hbm>> -> memref<128xi32, #tpu.memory_space<hbm>>
        %dma_wait3A_146 = arith.constant 0 : i32
        %dma_wait3A_147 = tpu.memref_slice %arg8[%dma_wait3A_139, %dma_wait3A_146] : memref<2x128xi32, #tpu.memory_space<vmem>> -> memref<1x128xi32, #tpu.memory_space<vmem>>
        %dma_wait3A_148 = tpu.memref_squeeze %dma_wait3A_147 : memref<1x128xi32, #tpu.memory_space<vmem>> -> memref<128xi32, #tpu.memory_space<vmem>>
        %dma_wait3A_149 = arith.constant 0 : i32
        %dma_wait3A_150 = tpu.memref_slice %arg3[%arg1, %add3A_138, %dma_wait3A_149] : memref<16x158x128xi32, #tpu.memory_space<hbm>> -> memref<1x1x128xi32, #tpu.memory_space<hbm>>
        %dma_wait3A_151 = tpu.memref_squeeze %dma_wait3A_150 : memref<1x1x128xi32, #tpu.memory_space<hbm>> -> memref<128xi32, #tpu.memory_space<hbm>>
        tpu.wait_dma2 semaphore(%arg14 : memref<!tpu.dma_semaphore, #tpu.memory_space<semaphore_mem>>) src(%dma_wait3A_151 : memref<128xi32, #tpu.memory_space<hbm>>) dst(%dma_wait3A_148 : memref<128xi32, #tpu.memory_space<vmem>>)
        %dma_wait3A_152 = arith.constant 1 : i32
        %dma_wait3A_153 = arith.constant 0 : i32
        %dma_wait3A_154 = tpu.memref_slice %arg9[%dma_wait3A_152, %dma_wait3A_153] : memref<2x128xi32, #tpu.memory_space<vmem>> -> memref<1x128xi32, #tpu.memory_space<vmem>>
        %dma_wait3A_155 = tpu.memref_squeeze %dma_wait3A_154 : memref<1x128xi32, #tpu.memory_space<vmem>> -> memref<128xi32, #tpu.memory_space<vmem>>
        %dma_wait3A_156 = arith.constant 0 : i32
        %dma_wait3A_157 = tpu.memref_slice %arg5[%arg1, %add3A_138, %dma_wait3A_156] : memref<16x158x128xi32, #tpu.memory_space<hbm>> -> memref<1x1x128xi32, #tpu.memory_space<hbm>>
        %dma_wait3A_158 = tpu.memref_squeeze %dma_wait3A_157 : memref<1x1x128xi32, #tpu.memory_space<hbm>> -> memref<128xi32, #tpu.memory_space<hbm>>
        %dma_wait3A_159 = arith.constant 0 : i32
        %dma_wait3A_160 = tpu.memref_slice %arg9[%dma_wait3A_152, %dma_wait3A_159] : memref<2x128xi32, #tpu.memory_space<vmem>> -> memref<1x128xi32, #tpu.memory_space<vmem>>
        %dma_wait3A_161 = tpu.memref_squeeze %dma_wait3A_160 : memref<1x128xi32, #tpu.memory_space<vmem>> -> memref<128xi32, #tpu.memory_space<vmem>>
        %dma_wait3A_162 = arith.constant 0 : i32
        %dma_wait3A_163 = tpu.memref_slice %arg5[%arg1, %add3A_138, %dma_wait3A_162] : memref<16x158x128xi32, #tpu.memory_space<hbm>> -> memref<1x1x128xi32, #tpu.memory_space<hbm>>
        %dma_wait3A_164 = tpu.memref_squeeze %dma_wait3A_163 : memref<1x1x128xi32, #tpu.memory_space<hbm>> -> memref<128xi32, #tpu.memory_space<hbm>>
        tpu.wait_dma2 semaphore(%arg14 : memref<!tpu.dma_semaphore, #tpu.memory_space<semaphore_mem>>) src(%dma_wait3A_164 : memref<128xi32, #tpu.memory_space<hbm>>) dst(%dma_wait3A_161 : memref<128xi32, #tpu.memory_space<vmem>>)
        %dma_start3A_165 = arith.constant 1 : i32
        %dma_start3A_166 = arith.constant 0 : i32
        %dma_start3A_167 = tpu.memref_slice %arg8[%dma_start3A_165, %dma_start3A_166] : memref<2x128xi32, #tpu.memory_space<vmem>> -> memref<1x128xi32, #tpu.memory_space<vmem>>
        %dma_start3A_168 = tpu.memref_squeeze %dma_start3A_167 : memref<1x128xi32, #tpu.memory_space<vmem>> -> memref<128xi32, #tpu.memory_space<vmem>>
        %dma_start3A_169 = arith.constant 0 : i32
        %dma_start3A_170 = arith.constant 0 : i32
        %dma_start3A_171 = tpu.memref_slice %arg2[%dma_start3A_169, %dma_start3A_170] : memref<20000x128xf32, #tpu.memory_space<hbm>> -> memref<20000x128xf32, #tpu.memory_space<hbm>>
        tpu.enqueue_indirect_dma source(%dma_start3A_171 : memref<20000x128xf32, #tpu.memory_space<hbm>>) target(%arg11 : memref<128x128xf32, #tpu.memory_space<vmem>>) offsets(%dma_start3A_168 : memref<128xi32, #tpu.memory_space<vmem>>) semaphore(%arg13 : memref<!tpu.dma_semaphore, #tpu.memory_space<semaphore_mem>>)
      } else {
      }
      %dma_wait3A_99 = arith.constant 0 : i32
      %dma_wait3A_100 = arith.constant 0 : i32
      %dma_wait3A_101 = tpu.memref_slice %arg8[%dma_wait3A_99, %dma_wait3A_100] : memref<2x128xi32, #tpu.memory_space<vmem>> -> memref<1x128xi32, #tpu.memory_space<vmem>>
      %dma_wait3A_102 = tpu.memref_squeeze %dma_wait3A_101 : memref<1x128xi32, #tpu.memory_space<vmem>> -> memref<128xi32, #tpu.memory_space<vmem>>
      %dma_wait3A_103 = arith.constant 0 : i32
      %dma_wait3A_104 = arith.constant 0 : i32
      %dma_wait3A_105 = tpu.memref_slice %arg2[%dma_wait3A_103, %dma_wait3A_104] : memref<20000x128xf32, #tpu.memory_space<hbm>> -> memref<20000x128xf32, #tpu.memory_space<hbm>>
      tpu.wait_indirect_dma semaphore(%arg13 : memref<!tpu.dma_semaphore, #tpu.memory_space<semaphore_mem>>) src(%dma_wait3A_105 : memref<20000x128xf32, #tpu.memory_space<hbm>>) dst(%arg10 : memref<128x128xf32, #tpu.memory_space<vmem>>)
      %run_scoped3A = arith.constant 0 : i32
      "tpu.region"() ({
        %run_scoped3A_137 = tpu.sem_alloc : memref<!tpu.dma_semaphore, #tpu.memory_space<semaphore_mem>>
        %dma_start3A_138 = arith.constant 0 : i32
        %dma_start3A_139 = tpu.memref_slice %arg9[%run_scoped3A, %dma_start3A_138] : memref<2x128xi32, #tpu.memory_space<vmem>> -> memref<1x128xi32, #tpu.memory_space<vmem>>
        %dma_start3A_140 = tpu.memref_squeeze %dma_start3A_139 : memref<1x128xi32, #tpu.memory_space<vmem>> -> memref<128xi32, #tpu.memory_space<vmem>>
        %dma_start3A_141 = arith.constant 0 : i32
        %dma_start3A_142 = arith.constant 0 : i32
        %dma_start3A_143 = tpu.memref_slice %arg12[%dma_start3A_141, %dma_start3A_142] : memref<10240x128xf32, #tpu.memory_space<vmem_shared>> -> memref<10240x128xf32, #tpu.memory_space<vmem_shared>>
        tpu.enqueue_indirect_dma source(%arg10 : memref<128x128xf32, #tpu.memory_space<vmem>>) target(%dma_start3A_143 : memref<10240x128xf32, #tpu.memory_space<vmem_shared>>) offsets(%dma_start3A_140 : memref<128xi32, #tpu.memory_space<vmem>>) semaphore(%run_scoped3A_137 : memref<!tpu.dma_semaphore, #tpu.memory_space<semaphore_mem>>) {add = true}
        %dma_wait3A_144 = arith.constant 0 : i32
        %dma_wait3A_145 = tpu.memref_slice %arg9[%run_scoped3A, %dma_wait3A_144] : memref<2x128xi32, #tpu.memory_space<vmem>> -> memref<1x128xi32, #tpu.memory_space<vmem>>
        %dma_wait3A_146 = tpu.memref_squeeze %dma_wait3A_145 : memref<1x128xi32, #tpu.memory_space<vmem>> -> memref<128xi32, #tpu.memory_space<vmem>>
        %dma_wait3A_147 = arith.constant 0 : i32
        %dma_wait3A_148 = arith.constant 0 : i32
        %dma_wait3A_149 = tpu.memref_slice %arg12[%dma_wait3A_147, %dma_wait3A_148] : memref<10240x128xf32, #tpu.memory_space<vmem_shared>> -> memref<10240x128xf32, #tpu.memory_space<vmem_shared>>
        tpu.wait_indirect_dma semaphore(%run_scoped3A_137 : memref<!tpu.dma_semaphore, #tpu.memory_space<semaphore_mem>>) src(%arg10 : memref<128x128xf32, #tpu.memory_space<vmem>>) dst(%dma_wait3A_149 : memref<10240x128xf32, #tpu.memory_space<vmem_shared>>)
        tpu.yield
      }) : () -> ()
      %add3A_106 = arith.constant 2 : i32
      %add3A_107 = arith.addi %mul3A_93, %add3A_106 : i32
      %lt3A_108 = arith.constant 158 : i32
      %lt3A_109 = arith.cmpi slt, %add3A_107, %lt3A_108 : i32
      %convert_element_type3A_110 = arith.extui %lt3A_109 : i1 to i32
      %cond3A_111 = arith.constant 0 : i32
      %cond3A_112 = arith.cmpi ne, %convert_element_type3A_110, %cond3A_111 : i32
      scf.if %cond3A_112 {
        %add3A_137 = arith.constant 2 : i32
        %add3A_138 = arith.addi %mul3A_93, %add3A_137 : i32
        %eq3A_139 = arith.constant 0 : i32
        %eq3A_140 = arith.cmpi eq, %arg0, %eq3A_139 : i32
        %convert_element_type3A_141 = arith.extui %eq3A_140 : i1 to i32
        %cond3A_142 = arith.constant 0 : i32
        %cond3A_143 = arith.cmpi ne, %convert_element_type3A_141, %cond3A_142 : i32
        scf.if %cond3A_143 {
          %dma_start3A_162 = arith.constant 0 : i32
          %dma_start3A_163 = arith.constant 0 : i32
          %dma_start3A_164 = tpu.memref_slice %arg8[%dma_start3A_162, %dma_start3A_163] : memref<2x128xi32, #tpu.memory_space<vmem>> -> memref<1x128xi32, #tpu.memory_space<vmem>>
          %dma_start3A_165 = tpu.memref_squeeze %dma_start3A_164 : memref<1x128xi32, #tpu.memory_space<vmem>> -> memref<128xi32, #tpu.memory_space<vmem>>
          %dma_start3A_166 = arith.constant 0 : i32
          %dma_start3A_167 = tpu.memref_slice %arg3[%arg1, %add3A_138, %dma_start3A_166] : memref<16x158x128xi32, #tpu.memory_space<hbm>> -> memref<1x1x128xi32, #tpu.memory_space<hbm>>
          %dma_start3A_168 = tpu.memref_squeeze %dma_start3A_167 : memref<1x1x128xi32, #tpu.memory_space<hbm>> -> memref<128xi32, #tpu.memory_space<hbm>>
          %dma_start3A_169 = arith.constant 0 : i32
          %dma_start3A_170 = tpu.memref_slice %arg8[%dma_start3A_162, %dma_start3A_169] : memref<2x128xi32, #tpu.memory_space<vmem>> -> memref<1x128xi32, #tpu.memory_space<vmem>>
          %dma_start3A_171 = tpu.memref_squeeze %dma_start3A_170 : memref<1x128xi32, #tpu.memory_space<vmem>> -> memref<128xi32, #tpu.memory_space<vmem>>
          %dma_start3A_172 = arith.constant 0 : i32
          %dma_start3A_173 = tpu.memref_slice %arg3[%arg1, %add3A_138, %dma_start3A_172] : memref<16x158x128xi32, #tpu.memory_space<hbm>> -> memref<1x1x128xi32, #tpu.memory_space<hbm>>
          %dma_start3A_174 = tpu.memref_squeeze %dma_start3A_173 : memref<1x1x128xi32, #tpu.memory_space<hbm>> -> memref<128xi32, #tpu.memory_space<hbm>>
          tpu.enqueue_dma source(%dma_start3A_174 : memref<128xi32, #tpu.memory_space<hbm>>) target(%dma_start3A_171 : memref<128xi32, #tpu.memory_space<vmem>>) target_semaphore(%arg14 : memref<!tpu.dma_semaphore, #tpu.memory_space<semaphore_mem>>)
        } else {
        }
        %eq3A_144 = arith.constant 1 : i32
        %eq3A_145 = arith.cmpi eq, %arg0, %eq3A_144 : i32
        %convert_element_type3A_146 = arith.extui %eq3A_145 : i1 to i32
        %cond3A_147 = arith.constant 0 : i32
        %cond3A_148 = arith.cmpi ne, %convert_element_type3A_146, %cond3A_147 : i32
        scf.if %cond3A_148 {
          %dma_start3A_162 = arith.constant 0 : i32
          %dma_start3A_163 = arith.constant 0 : i32
          %dma_start3A_164 = tpu.memref_slice %arg8[%dma_start3A_162, %dma_start3A_163] : memref<2x128xi32, #tpu.memory_space<vmem>> -> memref<1x128xi32, #tpu.memory_space<vmem>>
          %dma_start3A_165 = tpu.memref_squeeze %dma_start3A_164 : memref<1x128xi32, #tpu.memory_space<vmem>> -> memref<128xi32, #tpu.memory_space<vmem>>
          %dma_start3A_166 = arith.constant 0 : i32
          %dma_start3A_167 = tpu.memref_slice %arg4[%arg1, %add3A_138, %dma_start3A_166] : memref<16x158x128xi32, #tpu.memory_space<hbm>> -> memref<1x1x128xi32, #tpu.memory_space<hbm>>
          %dma_start3A_168 = tpu.memref_squeeze %dma_start3A_167 : memref<1x1x128xi32, #tpu.memory_space<hbm>> -> memref<128xi32, #tpu.memory_space<hbm>>
          %dma_start3A_169 = arith.constant 0 : i32
          %dma_start3A_170 = tpu.memref_slice %arg8[%dma_start3A_162, %dma_start3A_169] : memref<2x128xi32, #tpu.memory_space<vmem>> -> memref<1x128xi32, #tpu.memory_space<vmem>>
          %dma_start3A_171 = tpu.memref_squeeze %dma_start3A_170 : memref<1x128xi32, #tpu.memory_space<vmem>> -> memref<128xi32, #tpu.memory_space<vmem>>
          %dma_start3A_172 = arith.constant 0 : i32
          %dma_start3A_173 = tpu.memref_slice %arg4[%arg1, %add3A_138, %dma_start3A_172] : memref<16x158x128xi32, #tpu.memory_space<hbm>> -> memref<1x1x128xi32, #tpu.memory_space<hbm>>
          %dma_start3A_174 = tpu.memref_squeeze %dma_start3A_173 : memref<1x1x128xi32, #tpu.memory_space<hbm>> -> memref<128xi32, #tpu.memory_space<hbm>>
          tpu.enqueue_dma source(%dma_start3A_174 : memref<128xi32, #tpu.memory_space<hbm>>) target(%dma_start3A_171 : memref<128xi32, #tpu.memory_space<vmem>>) target_semaphore(%arg14 : memref<!tpu.dma_semaphore, #tpu.memory_space<semaphore_mem>>)
        } else {
        }
        %dma_start3A_149 = arith.constant 0 : i32
        %dma_start3A_150 = arith.constant 0 : i32
        %dma_start3A_151 = tpu.memref_slice %arg9[%dma_start3A_149, %dma_start3A_150] : memref<2x128xi32, #tpu.memory_space<vmem>> -> memref<1x128xi32, #tpu.memory_space<vmem>>
        %dma_start3A_152 = tpu.memref_squeeze %dma_start3A_151 : memref<1x128xi32, #tpu.memory_space<vmem>> -> memref<128xi32, #tpu.memory_space<vmem>>
        %dma_start3A_153 = arith.constant 0 : i32
        %dma_start3A_154 = tpu.memref_slice %arg5[%arg1, %add3A_138, %dma_start3A_153] : memref<16x158x128xi32, #tpu.memory_space<hbm>> -> memref<1x1x128xi32, #tpu.memory_space<hbm>>
        %dma_start3A_155 = tpu.memref_squeeze %dma_start3A_154 : memref<1x1x128xi32, #tpu.memory_space<hbm>> -> memref<128xi32, #tpu.memory_space<hbm>>
        %dma_start3A_156 = arith.constant 0 : i32
        %dma_start3A_157 = tpu.memref_slice %arg9[%dma_start3A_149, %dma_start3A_156] : memref<2x128xi32, #tpu.memory_space<vmem>> -> memref<1x128xi32, #tpu.memory_space<vmem>>
        %dma_start3A_158 = tpu.memref_squeeze %dma_start3A_157 : memref<1x128xi32, #tpu.memory_space<vmem>> -> memref<128xi32, #tpu.memory_space<vmem>>
        %dma_start3A_159 = arith.constant 0 : i32
        %dma_start3A_160 = tpu.memref_slice %arg5[%arg1, %add3A_138, %dma_start3A_159] : memref<16x158x128xi32, #tpu.memory_space<hbm>> -> memref<1x1x128xi32, #tpu.memory_space<hbm>>
        %dma_start3A_161 = tpu.memref_squeeze %dma_start3A_160 : memref<1x1x128xi32, #tpu.memory_space<hbm>> -> memref<128xi32, #tpu.memory_space<hbm>>
        tpu.enqueue_dma source(%dma_start3A_161 : memref<128xi32, #tpu.memory_space<hbm>>) target(%dma_start3A_158 : memref<128xi32, #tpu.memory_space<vmem>>) target_semaphore(%arg14 : memref<!tpu.dma_semaphore, #tpu.memory_space<semaphore_mem>>)
      } else {
      }
      %add3A_113 = arith.constant 1 : i32
      %add3A_114 = arith.addi %mul3A_93, %add3A_113 : i32
      %add3A_115 = arith.constant 1 : i32
      %add3A_116 = arith.addi %add3A_114, %add3A_115 : i32
      %lt3A_117 = arith.constant 158 : i32
      %lt3A_118 = arith.cmpi slt, %add3A_116, %lt3A_117 : i32
      %convert_element_type3A_119 = arith.extui %lt3A_118 : i1 to i32
      %cond3A_120 = arith.constant 0 : i32
      %cond3A_121 = arith.cmpi ne, %convert_element_type3A_119, %cond3A_120 : i32
      scf.if %cond3A_121 {
        %add3A_137 = arith.constant 1 : i32
        %add3A_138 = arith.addi %add3A_114, %add3A_137 : i32
        %dma_wait3A_139 = arith.constant 0 : i32
        %dma_wait3A_140 = arith.constant 0 : i32
        %dma_wait3A_141 = tpu.memref_slice %arg8[%dma_wait3A_139, %dma_wait3A_140] : memref<2x128xi32, #tpu.memory_space<vmem>> -> memref<1x128xi32, #tpu.memory_space<vmem>>
        %dma_wait3A_142 = tpu.memref_squeeze %dma_wait3A_141 : memref<1x128xi32, #tpu.memory_space<vmem>> -> memref<128xi32, #tpu.memory_space<vmem>>
        %dma_wait3A_143 = arith.constant 0 : i32
        %dma_wait3A_144 = tpu.memref_slice %arg3[%arg1, %add3A_138, %dma_wait3A_143] : memref<16x158x128xi32, #tpu.memory_space<hbm>> -> memref<1x1x128xi32, #tpu.memory_space<hbm>>
        %dma_wait3A_145 = tpu.memref_squeeze %dma_wait3A_144 : memref<1x1x128xi32, #tpu.memory_space<hbm>> -> memref<128xi32, #tpu.memory_space<hbm>>
        %dma_wait3A_146 = arith.constant 0 : i32
        %dma_wait3A_147 = tpu.memref_slice %arg8[%dma_wait3A_139, %dma_wait3A_146] : memref<2x128xi32, #tpu.memory_space<vmem>> -> memref<1x128xi32, #tpu.memory_space<vmem>>
        %dma_wait3A_148 = tpu.memref_squeeze %dma_wait3A_147 : memref<1x128xi32, #tpu.memory_space<vmem>> -> memref<128xi32, #tpu.memory_space<vmem>>
        %dma_wait3A_149 = arith.constant 0 : i32
        %dma_wait3A_150 = tpu.memref_slice %arg3[%arg1, %add3A_138, %dma_wait3A_149] : memref<16x158x128xi32, #tpu.memory_space<hbm>> -> memref<1x1x128xi32, #tpu.memory_space<hbm>>
        %dma_wait3A_151 = tpu.memref_squeeze %dma_wait3A_150 : memref<1x1x128xi32, #tpu.memory_space<hbm>> -> memref<128xi32, #tpu.memory_space<hbm>>
        tpu.wait_dma2 semaphore(%arg14 : memref<!tpu.dma_semaphore, #tpu.memory_space<semaphore_mem>>) src(%dma_wait3A_151 : memref<128xi32, #tpu.memory_space<hbm>>) dst(%dma_wait3A_148 : memref<128xi32, #tpu.memory_space<vmem>>)
        %dma_wait3A_152 = arith.constant 0 : i32
        %dma_wait3A_153 = arith.constant 0 : i32
        %dma_wait3A_154 = tpu.memref_slice %arg9[%dma_wait3A_152, %dma_wait3A_153] : memref<2x128xi32, #tpu.memory_space<vmem>> -> memref<1x128xi32, #tpu.memory_space<vmem>>
        %dma_wait3A_155 = tpu.memref_squeeze %dma_wait3A_154 : memref<1x128xi32, #tpu.memory_space<vmem>> -> memref<128xi32, #tpu.memory_space<vmem>>
        %dma_wait3A_156 = arith.constant 0 : i32
        %dma_wait3A_157 = tpu.memref_slice %arg5[%arg1, %add3A_138, %dma_wait3A_156] : memref<16x158x128xi32, #tpu.memory_space<hbm>> -> memref<1x1x128xi32, #tpu.memory_space<hbm>>
        %dma_wait3A_158 = tpu.memref_squeeze %dma_wait3A_157 : memref<1x1x128xi32, #tpu.memory_space<hbm>> -> memref<128xi32, #tpu.memory_space<hbm>>
        %dma_wait3A_159 = arith.constant 0 : i32
        %dma_wait3A_160 = tpu.memref_slice %arg9[%dma_wait3A_152, %dma_wait3A_159] : memref<2x128xi32, #tpu.memory_space<vmem>> -> memref<1x128xi32, #tpu.memory_space<vmem>>
        %dma_wait3A_161 = tpu.memref_squeeze %dma_wait3A_160 : memref<1x128xi32, #tpu.memory_space<vmem>> -> memref<128xi32, #tpu.memory_space<vmem>>
        %dma_wait3A_162 = arith.constant 0 : i32
        %dma_wait3A_163 = tpu.memref_slice %arg5[%arg1, %add3A_138, %dma_wait3A_162] : memref<16x158x128xi32, #tpu.memory_space<hbm>> -> memref<1x1x128xi32, #tpu.memory_space<hbm>>
        %dma_wait3A_164 = tpu.memref_squeeze %dma_wait3A_163 : memref<1x1x128xi32, #tpu.memory_space<hbm>> -> memref<128xi32, #tpu.memory_space<hbm>>
        tpu.wait_dma2 semaphore(%arg14 : memref<!tpu.dma_semaphore, #tpu.memory_space<semaphore_mem>>) src(%dma_wait3A_164 : memref<128xi32, #tpu.memory_space<hbm>>) dst(%dma_wait3A_161 : memref<128xi32, #tpu.memory_space<vmem>>)
        %dma_start3A_165 = arith.constant 0 : i32
        %dma_start3A_166 = arith.constant 0 : i32
        %dma_start3A_167 = tpu.memref_slice %arg8[%dma_start3A_165, %dma_start3A_166] : memref<2x128xi32, #tpu.memory_space<vmem>> -> memref<1x128xi32, #tpu.memory_space<vmem>>
        %dma_start3A_168 = tpu.memref_squeeze %dma_start3A_167 : memref<1x128xi32, #tpu.memory_space<vmem>> -> memref<128xi32, #tpu.memory_space<vmem>>
        %dma_start3A_169 = arith.constant 0 : i32
        %dma_start3A_170 = arith.constant 0 : i32
        %dma_start3A_171 = tpu.memref_slice %arg2[%dma_start3A_169, %dma_start3A_170] : memref<20000x128xf32, #tpu.memory_space<hbm>> -> memref<20000x128xf32, #tpu.memory_space<hbm>>
        tpu.enqueue_indirect_dma source(%dma_start3A_171 : memref<20000x128xf32, #tpu.memory_space<hbm>>) target(%arg10 : memref<128x128xf32, #tpu.memory_space<vmem>>) offsets(%dma_start3A_168 : memref<128xi32, #tpu.memory_space<vmem>>) semaphore(%arg13 : memref<!tpu.dma_semaphore, #tpu.memory_space<semaphore_mem>>)
      } else {
      }
      %dma_wait3A_122 = arith.constant 1 : i32
      %dma_wait3A_123 = arith.constant 0 : i32
      %dma_wait3A_124 = tpu.memref_slice %arg8[%dma_wait3A_122, %dma_wait3A_123] : memref<2x128xi32, #tpu.memory_space<vmem>> -> memref<1x128xi32, #tpu.memory_space<vmem>>
      %dma_wait3A_125 = tpu.memref_squeeze %dma_wait3A_124 : memref<1x128xi32, #tpu.memory_space<vmem>> -> memref<128xi32, #tpu.memory_space<vmem>>
      %dma_wait3A_126 = arith.constant 0 : i32
      %dma_wait3A_127 = arith.constant 0 : i32
      %dma_wait3A_128 = tpu.memref_slice %arg2[%dma_wait3A_126, %dma_wait3A_127] : memref<20000x128xf32, #tpu.memory_space<hbm>> -> memref<20000x128xf32, #tpu.memory_space<hbm>>
      tpu.wait_indirect_dma semaphore(%arg13 : memref<!tpu.dma_semaphore, #tpu.memory_space<semaphore_mem>>) src(%dma_wait3A_128 : memref<20000x128xf32, #tpu.memory_space<hbm>>) dst(%arg11 : memref<128x128xf32, #tpu.memory_space<vmem>>)
      %run_scoped3A_129 = arith.constant 1 : i32
      "tpu.region"() ({
        %run_scoped3A_137 = tpu.sem_alloc : memref<!tpu.dma_semaphore, #tpu.memory_space<semaphore_mem>>
        %dma_start3A_138 = arith.constant 0 : i32
        %dma_start3A_139 = tpu.memref_slice %arg9[%run_scoped3A_129, %dma_start3A_138] : memref<2x128xi32, #tpu.memory_space<vmem>> -> memref<1x128xi32, #tpu.memory_space<vmem>>
        %dma_start3A_140 = tpu.memref_squeeze %dma_start3A_139 : memref<1x128xi32, #tpu.memory_space<vmem>> -> memref<128xi32, #tpu.memory_space<vmem>>
        %dma_start3A_141 = arith.constant 0 : i32
        %dma_start3A_142 = arith.constant 0 : i32
        %dma_start3A_143 = tpu.memref_slice %arg12[%dma_start3A_141, %dma_start3A_142] : memref<10240x128xf32, #tpu.memory_space<vmem_shared>> -> memref<10240x128xf32, #tpu.memory_space<vmem_shared>>
        tpu.enqueue_indirect_dma source(%arg11 : memref<128x128xf32, #tpu.memory_space<vmem>>) target(%dma_start3A_143 : memref<10240x128xf32, #tpu.memory_space<vmem_shared>>) offsets(%dma_start3A_140 : memref<128xi32, #tpu.memory_space<vmem>>) semaphore(%run_scoped3A_137 : memref<!tpu.dma_semaphore, #tpu.memory_space<semaphore_mem>>) {add = true}
        %dma_wait3A_144 = arith.constant 0 : i32
        %dma_wait3A_145 = tpu.memref_slice %arg9[%run_scoped3A_129, %dma_wait3A_144] : memref<2x128xi32, #tpu.memory_space<vmem>> -> memref<1x128xi32, #tpu.memory_space<vmem>>
        %dma_wait3A_146 = tpu.memref_squeeze %dma_wait3A_145 : memref<1x128xi32, #tpu.memory_space<vmem>> -> memref<128xi32, #tpu.memory_space<vmem>>
        %dma_wait3A_147 = arith.constant 0 : i32
        %dma_wait3A_148 = arith.constant 0 : i32
        %dma_wait3A_149 = tpu.memref_slice %arg12[%dma_wait3A_147, %dma_wait3A_148] : memref<10240x128xf32, #tpu.memory_space<vmem_shared>> -> memref<10240x128xf32, #tpu.memory_space<vmem_shared>>
        tpu.wait_indirect_dma semaphore(%run_scoped3A_137 : memref<!tpu.dma_semaphore, #tpu.memory_space<semaphore_mem>>) src(%arg11 : memref<128x128xf32, #tpu.memory_space<vmem>>) dst(%dma_wait3A_149 : memref<10240x128xf32, #tpu.memory_space<vmem_shared>>)
        tpu.yield
      }) : () -> ()
      %add3A_130 = arith.constant 2 : i32
      %add3A_131 = arith.addi %add3A_114, %add3A_130 : i32
      %lt3A_132 = arith.constant 158 : i32
      %lt3A_133 = arith.cmpi slt, %add3A_131, %lt3A_132 : i32
      %convert_element_type3A_134 = arith.extui %lt3A_133 : i1 to i32
      %cond3A_135 = arith.constant 0 : i32
      %cond3A_136 = arith.cmpi ne, %convert_element_type3A_134, %cond3A_135 : i32
      scf.if %cond3A_136 {
        %add3A_137 = arith.constant 2 : i32
        %add3A_138 = arith.addi %add3A_114, %add3A_137 : i32
        %eq3A_139 = arith.constant 0 : i32
        %eq3A_140 = arith.cmpi eq, %arg0, %eq3A_139 : i32
        %convert_element_type3A_141 = arith.extui %eq3A_140 : i1 to i32
        %cond3A_142 = arith.constant 0 : i32
        %cond3A_143 = arith.cmpi ne, %convert_element_type3A_141, %cond3A_142 : i32
        scf.if %cond3A_143 {
          %dma_start3A_162 = arith.constant 1 : i32
          %dma_start3A_163 = arith.constant 0 : i32
          %dma_start3A_164 = tpu.memref_slice %arg8[%dma_start3A_162, %dma_start3A_163] : memref<2x128xi32, #tpu.memory_space<vmem>> -> memref<1x128xi32, #tpu.memory_space<vmem>>
          %dma_start3A_165 = tpu.memref_squeeze %dma_start3A_164 : memref<1x128xi32, #tpu.memory_space<vmem>> -> memref<128xi32, #tpu.memory_space<vmem>>
          %dma_start3A_166 = arith.constant 0 : i32
          %dma_start3A_167 = tpu.memref_slice %arg3[%arg1, %add3A_138, %dma_start3A_166] : memref<16x158x128xi32, #tpu.memory_space<hbm>> -> memref<1x1x128xi32, #tpu.memory_space<hbm>>
          %dma_start3A_168 = tpu.memref_squeeze %dma_start3A_167 : memref<1x1x128xi32, #tpu.memory_space<hbm>> -> memref<128xi32, #tpu.memory_space<hbm>>
          %dma_start3A_169 = arith.constant 0 : i32
          %dma_start3A_170 = tpu.memref_slice %arg8[%dma_start3A_162, %dma_start3A_169] : memref<2x128xi32, #tpu.memory_space<vmem>> -> memref<1x128xi32, #tpu.memory_space<vmem>>
          %dma_start3A_171 = tpu.memref_squeeze %dma_start3A_170 : memref<1x128xi32, #tpu.memory_space<vmem>> -> memref<128xi32, #tpu.memory_space<vmem>>
          %dma_start3A_172 = arith.constant 0 : i32
          %dma_start3A_173 = tpu.memref_slice %arg3[%arg1, %add3A_138, %dma_start3A_172] : memref<16x158x128xi32, #tpu.memory_space<hbm>> -> memref<1x1x128xi32, #tpu.memory_space<hbm>>
          %dma_start3A_174 = tpu.memref_squeeze %dma_start3A_173 : memref<1x1x128xi32, #tpu.memory_space<hbm>> -> memref<128xi32, #tpu.memory_space<hbm>>
          tpu.enqueue_dma source(%dma_start3A_174 : memref<128xi32, #tpu.memory_space<hbm>>) target(%dma_start3A_171 : memref<128xi32, #tpu.memory_space<vmem>>) target_semaphore(%arg14 : memref<!tpu.dma_semaphore, #tpu.memory_space<semaphore_mem>>)
        } else {
        }
        %eq3A_144 = arith.constant 1 : i32
        %eq3A_145 = arith.cmpi eq, %arg0, %eq3A_144 : i32
        %convert_element_type3A_146 = arith.extui %eq3A_145 : i1 to i32
        %cond3A_147 = arith.constant 0 : i32
        %cond3A_148 = arith.cmpi ne, %convert_element_type3A_146, %cond3A_147 : i32
        scf.if %cond3A_148 {
          %dma_start3A_162 = arith.constant 1 : i32
          %dma_start3A_163 = arith.constant 0 : i32
          %dma_start3A_164 = tpu.memref_slice %arg8[%dma_start3A_162, %dma_start3A_163] : memref<2x128xi32, #tpu.memory_space<vmem>> -> memref<1x128xi32, #tpu.memory_space<vmem>>
          %dma_start3A_165 = tpu.memref_squeeze %dma_start3A_164 : memref<1x128xi32, #tpu.memory_space<vmem>> -> memref<128xi32, #tpu.memory_space<vmem>>
          %dma_start3A_166 = arith.constant 0 : i32
          %dma_start3A_167 = tpu.memref_slice %arg4[%arg1, %add3A_138, %dma_start3A_166] : memref<16x158x128xi32, #tpu.memory_space<hbm>> -> memref<1x1x128xi32, #tpu.memory_space<hbm>>
          %dma_start3A_168 = tpu.memref_squeeze %dma_start3A_167 : memref<1x1x128xi32, #tpu.memory_space<hbm>> -> memref<128xi32, #tpu.memory_space<hbm>>
          %dma_start3A_169 = arith.constant 0 : i32
          %dma_start3A_170 = tpu.memref_slice %arg8[%dma_start3A_162, %dma_start3A_169] : memref<2x128xi32, #tpu.memory_space<vmem>> -> memref<1x128xi32, #tpu.memory_space<vmem>>
          %dma_start3A_171 = tpu.memref_squeeze %dma_start3A_170 : memref<1x128xi32, #tpu.memory_space<vmem>> -> memref<128xi32, #tpu.memory_space<vmem>>
          %dma_start3A_172 = arith.constant 0 : i32
          %dma_start3A_173 = tpu.memref_slice %arg4[%arg1, %add3A_138, %dma_start3A_172] : memref<16x158x128xi32, #tpu.memory_space<hbm>> -> memref<1x1x128xi32, #tpu.memory_space<hbm>>
          %dma_start3A_174 = tpu.memref_squeeze %dma_start3A_173 : memref<1x1x128xi32, #tpu.memory_space<hbm>> -> memref<128xi32, #tpu.memory_space<hbm>>
          tpu.enqueue_dma source(%dma_start3A_174 : memref<128xi32, #tpu.memory_space<hbm>>) target(%dma_start3A_171 : memref<128xi32, #tpu.memory_space<vmem>>) target_semaphore(%arg14 : memref<!tpu.dma_semaphore, #tpu.memory_space<semaphore_mem>>)
        } else {
        }
        %dma_start3A_149 = arith.constant 1 : i32
        %dma_start3A_150 = arith.constant 0 : i32
        %dma_start3A_151 = tpu.memref_slice %arg9[%dma_start3A_149, %dma_start3A_150] : memref<2x128xi32, #tpu.memory_space<vmem>> -> memref<1x128xi32, #tpu.memory_space<vmem>>
        %dma_start3A_152 = tpu.memref_squeeze %dma_start3A_151 : memref<1x128xi32, #tpu.memory_space<vmem>> -> memref<128xi32, #tpu.memory_space<vmem>>
        %dma_start3A_153 = arith.constant 0 : i32
        %dma_start3A_154 = tpu.memref_slice %arg5[%arg1, %add3A_138, %dma_start3A_153] : memref<16x158x128xi32, #tpu.memory_space<hbm>> -> memref<1x1x128xi32, #tpu.memory_space<hbm>>
        %dma_start3A_155 = tpu.memref_squeeze %dma_start3A_154 : memref<1x1x128xi32, #tpu.memory_space<hbm>> -> memref<128xi32, #tpu.memory_space<hbm>>
        %dma_start3A_156 = arith.constant 0 : i32
        %dma_start3A_157 = tpu.memref_slice %arg9[%dma_start3A_149, %dma_start3A_156] : memref<2x128xi32, #tpu.memory_space<vmem>> -> memref<1x128xi32, #tpu.memory_space<vmem>>
        %dma_start3A_158 = tpu.memref_squeeze %dma_start3A_157 : memref<1x128xi32, #tpu.memory_space<vmem>> -> memref<128xi32, #tpu.memory_space<vmem>>
        %dma_start3A_159 = arith.constant 0 : i32
        %dma_start3A_160 = tpu.memref_slice %arg5[%arg1, %add3A_138, %dma_start3A_159] : memref<16x158x128xi32, #tpu.memory_space<hbm>> -> memref<1x1x128xi32, #tpu.memory_space<hbm>>
        %dma_start3A_161 = tpu.memref_squeeze %dma_start3A_160 : memref<1x1x128xi32, #tpu.memory_space<hbm>> -> memref<128xi32, #tpu.memory_space<hbm>>
        tpu.enqueue_dma source(%dma_start3A_161 : memref<128xi32, #tpu.memory_space<hbm>>) target(%dma_start3A_158 : memref<128xi32, #tpu.memory_space<vmem>>) target_semaphore(%arg14 : memref<!tpu.dma_semaphore, #tpu.memory_space<semaphore_mem>>)
      } else {
      }
    }
    %scan3A_85 = arith.constant 79 : i32
    %barrier3A_86 = arith.constant 0 : index
    tpu.barrier barrier_id(%barrier3A_86)
    %mul3A_87 = arith.constant 640 : i32
    %mul3A_88 = arith.muli %arg1, %mul3A_87 : i32
    %mul3A_89 = arith.constant 640 : i32
    %mul3A_90 = arith.muli %arg1, %mul3A_89 : i32
    "tpu.region"() ({
      %run_scoped3A = tpu.sem_alloc : memref<!tpu.dma_semaphore, #tpu.memory_space<semaphore_mem>>
      %dma_start3A_91 = arith.constant 0 : i32
      %dma_start3A_92 = tpu.memref_slice %arg7[%arg0, %mul3A_90, %dma_start3A_91] : memref<2x10240x128xf32, #tpu.memory_space<hbm>> -> memref<1x640x128xf32, #tpu.memory_space<hbm>>
      %dma_start3A_93 = tpu.memref_squeeze %dma_start3A_92 : memref<1x640x128xf32, #tpu.memory_space<hbm>> -> memref<640x128xf32, #tpu.memory_space<hbm>>
      %dma_start3A_94 = arith.constant 0 : i32
      %dma_start3A_95 = tpu.memref_slice %arg12[%mul3A_88, %dma_start3A_94] : memref<10240x128xf32, #tpu.memory_space<vmem_shared>> -> memref<640x128xf32, #tpu.memory_space<vmem_shared>>
      tpu.enqueue_dma source(%dma_start3A_95 : memref<640x128xf32, #tpu.memory_space<vmem_shared>>) target(%dma_start3A_93 : memref<640x128xf32, #tpu.memory_space<hbm>>) target_semaphore(%run_scoped3A : memref<!tpu.dma_semaphore, #tpu.memory_space<semaphore_mem>>)
      %dma_wait3A_96 = arith.constant 0 : i32
      %dma_wait3A_97 = tpu.memref_slice %arg7[%arg0, %mul3A_90, %dma_wait3A_96] : memref<2x10240x128xf32, #tpu.memory_space<hbm>> -> memref<1x640x128xf32, #tpu.memory_space<hbm>>
      %dma_wait3A_98 = tpu.memref_squeeze %dma_wait3A_97 : memref<1x640x128xf32, #tpu.memory_space<hbm>> -> memref<640x128xf32, #tpu.memory_space<hbm>>
      %dma_wait3A_99 = arith.constant 0 : i32
      %dma_wait3A_100 = tpu.memref_slice %arg12[%mul3A_88, %dma_wait3A_99] : memref<10240x128xf32, #tpu.memory_space<vmem_shared>> -> memref<640x128xf32, #tpu.memory_space<vmem_shared>>
      tpu.wait_dma2 semaphore(%run_scoped3A : memref<!tpu.dma_semaphore, #tpu.memory_space<semaphore_mem>>) src(%dma_wait3A_100 : memref<640x128xf32, #tpu.memory_space<vmem_shared>>) dst(%dma_wait3A_98 : memref<640x128xf32, #tpu.memory_space<hbm>>)
      tpu.yield
    }) : () -> ()
    return
  }
}

#map = affine_map<(d0, d1) -> (0, 0)>
#map1 = affine_map<(d0, d1) -> (0, 0, 0)>
module attributes {stable_mosaic.version = 14 : i64} {
  func.func @_sc_body(%arg0: i32, %arg1: i32, %arg2: memref<20000x128xf32, #tpu.memory_space<hbm>>, %arg3: memref<16x158x128xi32, #tpu.memory_space<hbm>>, %arg4: memref<16x158x128xi32, #tpu.memory_space<hbm>>, %arg5: memref<16x158x128xi32, #tpu.memory_space<hbm>>, %arg6: memref<10240x128xf32, #tpu.memory_space<hbm>>, %arg7: memref<2x10240x128xf32, #tpu.memory_space<hbm>>, %arg8: memref<2x128xi32, #tpu.memory_space<vmem>>, %arg9: memref<2x128xi32, #tpu.memory_space<vmem>>, %arg10: memref<128x128xf32, #tpu.memory_space<vmem>>, %arg11: memref<128x128xf32, #tpu.memory_space<vmem>>, %arg12: memref<10240x128xf32, #tpu.memory_space<vmem_shared>>, %arg13: memref<!tpu.dma_semaphore, #tpu.memory_space<semaphore_mem>>, %arg14: memref<!tpu.dma_semaphore, #tpu.memory_space<semaphore_mem>>) attributes {dimension_semantics = [#tpu.dimension_semantics<core_parallel>, #tpu.dimension_semantics<subcore_parallel>], iteration_bounds = array<i64: 2, 16>, scalar_prefetch = 0 : i64, scratch_operands = 7 : i64, tpu.core_type = #tpu.core_type<sc_vector_subcore>, window_params = [{transform_indices = #map}, {transform_indices = #map1}, {transform_indices = #map1}, {transform_indices = #map1}, {transform_indices = #map}, {transform_indices = #map1}]} {
    %mul3A = arith.constant 640 : i32
    %mul3A_0 = arith.muli %arg1, %mul3A : i32
    %mul3A_1 = arith.constant 640 : i32
    %mul3A_2 = arith.muli %arg1, %mul3A_1 : i32
    "tpu.region"() ({
      %run_scoped3A = tpu.sem_alloc : memref<!tpu.dma_semaphore, #tpu.memory_space<semaphore_mem>>
      %dma_start3A_91 = arith.constant 0 : i32
      %dma_start3A_92 = tpu.memref_slice %arg12[%mul3A_2, %dma_start3A_91] : memref<10240x128xf32, #tpu.memory_space<vmem_shared>> -> memref<640x128xf32, #tpu.memory_space<vmem_shared>>
      %dma_start3A_93 = arith.constant 0 : i32
      %dma_start3A_94 = tpu.memref_slice %arg6[%mul3A_0, %dma_start3A_93] : memref<10240x128xf32, #tpu.memory_space<hbm>> -> memref<640x128xf32, #tpu.memory_space<hbm>>
      tpu.enqueue_dma source(%dma_start3A_94 : memref<640x128xf32, #tpu.memory_space<hbm>>) target(%dma_start3A_92 : memref<640x128xf32, #tpu.memory_space<vmem_shared>>) target_semaphore(%run_scoped3A : memref<!tpu.dma_semaphore, #tpu.memory_space<semaphore_mem>>)
      %dma_wait3A_95 = arith.constant 0 : i32
      %dma_wait3A_96 = tpu.memref_slice %arg12[%mul3A_2, %dma_wait3A_95] : memref<10240x128xf32, #tpu.memory_space<vmem_shared>> -> memref<640x128xf32, #tpu.memory_space<vmem_shared>>
      %dma_wait3A_97 = arith.constant 0 : i32
      %dma_wait3A_98 = tpu.memref_slice %arg6[%mul3A_0, %dma_wait3A_97] : memref<10240x128xf32, #tpu.memory_space<hbm>> -> memref<640x128xf32, #tpu.memory_space<hbm>>
      tpu.wait_dma2 semaphore(%run_scoped3A : memref<!tpu.dma_semaphore, #tpu.memory_space<semaphore_mem>>) src(%dma_wait3A_98 : memref<640x128xf32, #tpu.memory_space<hbm>>) dst(%dma_wait3A_96 : memref<640x128xf32, #tpu.memory_space<vmem_shared>>)
      tpu.yield
    }) : () -> ()
    %barrier3A = arith.constant 0 : index
    tpu.barrier barrier_id(%barrier3A)
    %eq3A = arith.constant 0 : i32
    %eq3A_3 = arith.cmpi eq, %arg0, %eq3A : i32
    %convert_element_type3A = arith.extui %eq3A_3 : i1 to i32
    %cond3A = arith.constant 0 : i32
    %cond3A_4 = arith.cmpi ne, %convert_element_type3A, %cond3A : i32
    scf.if %cond3A_4 {
      %dma_start3A_91 = arith.constant 0 : i32
      %dma_start3A_92 = arith.constant 0 : i32
      %dma_start3A_93 = arith.constant 0 : i32
      %dma_start3A_94 = tpu.memref_slice %arg8[%dma_start3A_92, %dma_start3A_93] : memref<2x128xi32, #tpu.memory_space<vmem>> -> memref<1x128xi32, #tpu.memory_space<vmem>>
      %dma_start3A_95 = tpu.memref_squeeze %dma_start3A_94 : memref<1x128xi32, #tpu.memory_space<vmem>> -> memref<128xi32, #tpu.memory_space<vmem>>
      %dma_start3A_96 = arith.constant 0 : i32
      %dma_start3A_97 = tpu.memref_slice %arg3[%arg1, %dma_start3A_91, %dma_start3A_96] : memref<16x158x128xi32, #tpu.memory_space<hbm>> -> memref<1x1x128xi32, #tpu.memory_space<hbm>>
      %dma_start3A_98 = tpu.memref_squeeze %dma_start3A_97 : memref<1x1x128xi32, #tpu.memory_space<hbm>> -> memref<128xi32, #tpu.memory_space<hbm>>
      %dma_start3A_99 = arith.constant 0 : i32
      %dma_start3A_100 = tpu.memref_slice %arg8[%dma_start3A_92, %dma_start3A_99] : memref<2x128xi32, #tpu.memory_space<vmem>> -> memref<1x128xi32, #tpu.memory_space<vmem>>
      %dma_start3A_101 = tpu.memref_squeeze %dma_start3A_100 : memref<1x128xi32, #tpu.memory_space<vmem>> -> memref<128xi32, #tpu.memory_space<vmem>>
      %dma_start3A_102 = arith.constant 0 : i32
      %dma_start3A_103 = tpu.memref_slice %arg3[%arg1, %dma_start3A_91, %dma_start3A_102] : memref<16x158x128xi32, #tpu.memory_space<hbm>> -> memref<1x1x128xi32, #tpu.memory_space<hbm>>
      %dma_start3A_104 = tpu.memref_squeeze %dma_start3A_103 : memref<1x1x128xi32, #tpu.memory_space<hbm>> -> memref<128xi32, #tpu.memory_space<hbm>>
      tpu.enqueue_dma source(%dma_start3A_104 : memref<128xi32, #tpu.memory_space<hbm>>) target(%dma_start3A_101 : memref<128xi32, #tpu.memory_space<vmem>>) target_semaphore(%arg14 : memref<!tpu.dma_semaphore, #tpu.memory_space<semaphore_mem>>)
    } else {
    }
    %eq3A_5 = arith.constant 1 : i32
    %eq3A_6 = arith.cmpi eq, %arg0, %eq3A_5 : i32
    %convert_element_type3A_7 = arith.extui %eq3A_6 : i1 to i32
    %cond3A_8 = arith.constant 0 : i32
    %cond3A_9 = arith.cmpi ne, %convert_element_type3A_7, %cond3A_8 : i32
    scf.if %cond3A_9 {
      %dma_start3A_91 = arith.constant 0 : i32
      %dma_start3A_92 = arith.constant 0 : i32
      %dma_start3A_93 = arith.constant 0 : i32
      %dma_start3A_94 = tpu.memref_slice %arg8[%dma_start3A_92, %dma_start3A_93] : memref<2x128xi32, #tpu.memory_space<vmem>> -> memref<1x128xi32, #tpu.memory_space<vmem>>
      %dma_start3A_95 = tpu.memref_squeeze %dma_start3A_94 : memref<1x128xi32, #tpu.memory_space<vmem>> -> memref<128xi32, #tpu.memory_space<vmem>>
      %dma_start3A_96 = arith.constant 0 : i32
      %dma_start3A_97 = tpu.memref_slice %arg4[%arg1, %dma_start3A_91, %dma_start3A_96] : memref<16x158x128xi32, #tpu.memory_space<hbm>> -> memref<1x1x128xi32, #tpu.memory_space<hbm>>
      %dma_start3A_98 = tpu.memref_squeeze %dma_start3A_97 : memref<1x1x128xi32, #tpu.memory_space<hbm>> -> memref<128xi32, #tpu.memory_space<hbm>>
      %dma_start3A_99 = arith.constant 0 : i32
      %dma_start3A_100 = tpu.memref_slice %arg8[%dma_start3A_92, %dma_start3A_99] : memref<2x128xi32, #tpu.memory_space<vmem>> -> memref<1x128xi32, #tpu.memory_space<vmem>>
      %dma_start3A_101 = tpu.memref_squeeze %dma_start3A_100 : memref<1x128xi32, #tpu.memory_space<vmem>> -> memref<128xi32, #tpu.memory_space<vmem>>
      %dma_start3A_102 = arith.constant 0 : i32
      %dma_start3A_103 = tpu.memref_slice %arg4[%arg1, %dma_start3A_91, %dma_start3A_102] : memref<16x158x128xi32, #tpu.memory_space<hbm>> -> memref<1x1x128xi32, #tpu.memory_space<hbm>>
      %dma_start3A_104 = tpu.memref_squeeze %dma_start3A_103 : memref<1x1x128xi32, #tpu.memory_space<hbm>> -> memref<128xi32, #tpu.memory_space<hbm>>
      tpu.enqueue_dma source(%dma_start3A_104 : memref<128xi32, #tpu.memory_space<hbm>>) target(%dma_start3A_101 : memref<128xi32, #tpu.memory_space<vmem>>) target_semaphore(%arg14 : memref<!tpu.dma_semaphore, #tpu.memory_space<semaphore_mem>>)
    } else {
    }
    %dma_start3A = arith.constant 0 : i32
    %dma_start3A_10 = arith.constant 0 : i32
    %dma_start3A_11 = arith.constant 0 : i32
    %dma_start3A_12 = tpu.memref_slice %arg9[%dma_start3A_10, %dma_start3A_11] : memref<2x128xi32, #tpu.memory_space<vmem>> -> memref<1x128xi32, #tpu.memory_space<vmem>>
    %dma_start3A_13 = tpu.memref_squeeze %dma_start3A_12 : memref<1x128xi32, #tpu.memory_space<vmem>> -> memref<128xi32, #tpu.memory_space<vmem>>
    %dma_start3A_14 = arith.constant 0 : i32
    %dma_start3A_15 = tpu.memref_slice %arg5[%arg1, %dma_start3A, %dma_start3A_14] : memref<16x158x128xi32, #tpu.memory_space<hbm>> -> memref<1x1x128xi32, #tpu.memory_space<hbm>>
    %dma_start3A_16 = tpu.memref_squeeze %dma_start3A_15 : memref<1x1x128xi32, #tpu.memory_space<hbm>> -> memref<128xi32, #tpu.memory_space<hbm>>
    %dma_start3A_17 = arith.constant 0 : i32
    %dma_start3A_18 = tpu.memref_slice %arg9[%dma_start3A_10, %dma_start3A_17] : memref<2x128xi32, #tpu.memory_space<vmem>> -> memref<1x128xi32, #tpu.memory_space<vmem>>
    %dma_start3A_19 = tpu.memref_squeeze %dma_start3A_18 : memref<1x128xi32, #tpu.memory_space<vmem>> -> memref<128xi32, #tpu.memory_space<vmem>>
    %dma_start3A_20 = arith.constant 0 : i32
    %dma_start3A_21 = tpu.memref_slice %arg5[%arg1, %dma_start3A, %dma_start3A_20] : memref<16x158x128xi32, #tpu.memory_space<hbm>> -> memref<1x1x128xi32, #tpu.memory_space<hbm>>
    %dma_start3A_22 = tpu.memref_squeeze %dma_start3A_21 : memref<1x1x128xi32, #tpu.memory_space<hbm>> -> memref<128xi32, #tpu.memory_space<hbm>>
    tpu.enqueue_dma source(%dma_start3A_22 : memref<128xi32, #tpu.memory_space<hbm>>) target(%dma_start3A_19 : memref<128xi32, #tpu.memory_space<vmem>>) target_semaphore(%arg14 : memref<!tpu.dma_semaphore, #tpu.memory_space<semaphore_mem>>)
    %dma_wait3A = arith.constant 0 : i32
    %dma_wait3A_23 = arith.constant 0 : i32
    %dma_wait3A_24 = arith.constant 0 : i32
    %dma_wait3A_25 = tpu.memref_slice %arg8[%dma_wait3A_23, %dma_wait3A_24] : memref<2x128xi32, #tpu.memory_space<vmem>> -> memref<1x128xi32, #tpu.memory_space<vmem>>
    %dma_wait3A_26 = tpu.memref_squeeze %dma_wait3A_25 : memref<1x128xi32, #tpu.memory_space<vmem>> -> memref<128xi32, #tpu.memory_space<vmem>>
    %dma_wait3A_27 = arith.constant 0 : i32
    %dma_wait3A_28 = tpu.memref_slice %arg3[%arg1, %dma_wait3A, %dma_wait3A_27] : memref<16x158x128xi32, #tpu.memory_space<hbm>> -> memref<1x1x128xi32, #tpu.memory_space<hbm>>
    %dma_wait3A_29 = tpu.memref_squeeze %dma_wait3A_28 : memref<1x1x128xi32, #tpu.memory_space<hbm>> -> memref<128xi32, #tpu.memory_space<hbm>>
    %dma_wait3A_30 = arith.constant 0 : i32
    %dma_wait3A_31 = tpu.memref_slice %arg8[%dma_wait3A_23, %dma_wait3A_30] : memref<2x128xi32, #tpu.memory_space<vmem>> -> memref<1x128xi32, #tpu.memory_space<vmem>>
    %dma_wait3A_32 = tpu.memref_squeeze %dma_wait3A_31 : memref<1x128xi32, #tpu.memory_space<vmem>> -> memref<128xi32, #tpu.memory_space<vmem>>
    %dma_wait3A_33 = arith.constant 0 : i32
    %dma_wait3A_34 = tpu.memref_slice %arg3[%arg1, %dma_wait3A, %dma_wait3A_33] : memref<16x158x128xi32, #tpu.memory_space<hbm>> -> memref<1x1x128xi32, #tpu.memory_space<hbm>>
    %dma_wait3A_35 = tpu.memref_squeeze %dma_wait3A_34 : memref<1x1x128xi32, #tpu.memory_space<hbm>> -> memref<128xi32, #tpu.memory_space<hbm>>
    tpu.wait_dma2 semaphore(%arg14 : memref<!tpu.dma_semaphore, #tpu.memory_space<semaphore_mem>>) src(%dma_wait3A_35 : memref<128xi32, #tpu.memory_space<hbm>>) dst(%dma_wait3A_32 : memref<128xi32, #tpu.memory_space<vmem>>)
    %dma_wait3A_36 = arith.constant 0 : i32
    %dma_wait3A_37 = arith.constant 0 : i32
    %dma_wait3A_38 = arith.constant 0 : i32
    %dma_wait3A_39 = tpu.memref_slice %arg9[%dma_wait3A_37, %dma_wait3A_38] : memref<2x128xi32, #tpu.memory_space<vmem>> -> memref<1x128xi32, #tpu.memory_space<vmem>>
    %dma_wait3A_40 = tpu.memref_squeeze %dma_wait3A_39 : memref<1x128xi32, #tpu.memory_space<vmem>> -> memref<128xi32, #tpu.memory_space<vmem>>
    %dma_wait3A_41 = arith.constant 0 : i32
    %dma_wait3A_42 = tpu.memref_slice %arg5[%arg1, %dma_wait3A_36, %dma_wait3A_41] : memref<16x158x128xi32, #tpu.memory_space<hbm>> -> memref<1x1x128xi32, #tpu.memory_space<hbm>>
    %dma_wait3A_43 = tpu.memref_squeeze %dma_wait3A_42 : memref<1x1x128xi32, #tpu.memory_space<hbm>> -> memref<128xi32, #tpu.memory_space<hbm>>
    %dma_wait3A_44 = arith.constant 0 : i32
    %dma_wait3A_45 = tpu.memref_slice %arg9[%dma_wait3A_37, %dma_wait3A_44] : memref<2x128xi32, #tpu.memory_space<vmem>> -> memref<1x128xi32, #tpu.memory_space<vmem>>
    %dma_wait3A_46 = tpu.memref_squeeze %dma_wait3A_45 : memref<1x128xi32, #tpu.memory_space<vmem>> -> memref<128xi32, #tpu.memory_space<vmem>>
    %dma_wait3A_47 = arith.constant 0 : i32
    %dma_wait3A_48 = tpu.memref_slice %arg5[%arg1, %dma_wait3A_36, %dma_wait3A_47] : memref<16x158x128xi32, #tpu.memory_space<hbm>> -> memref<1x1x128xi32, #tpu.memory_space<hbm>>
    %dma_wait3A_49 = tpu.memref_squeeze %dma_wait3A_48 : memref<1x1x128xi32, #tpu.memory_space<hbm>> -> memref<128xi32, #tpu.memory_space<hbm>>
    tpu.wait_dma2 semaphore(%arg14 : memref<!tpu.dma_semaphore, #tpu.memory_space<semaphore_mem>>) src(%dma_wait3A_49 : memref<128xi32, #tpu.memory_space<hbm>>) dst(%dma_wait3A_46 : memref<128xi32, #tpu.memory_space<vmem>>)
    %dma_start3A_50 = arith.constant 0 : i32
    %dma_start3A_51 = arith.constant 0 : i32
    %dma_start3A_52 = tpu.memref_slice %arg8[%dma_start3A_50, %dma_start3A_51] : memref<2x128xi32, #tpu.memory_space<vmem>> -> memref<1x128xi32, #tpu.memory_space<vmem>>
    %dma_start3A_53 = tpu.memref_squeeze %dma_start3A_52 : memref<1x128xi32, #tpu.memory_space<vmem>> -> memref<128xi32, #tpu.memory_space<vmem>>
    %dma_start3A_54 = arith.constant 0 : i32
    %dma_start3A_55 = arith.constant 0 : i32
    %dma_start3A_56 = tpu.memref_slice %arg2[%dma_start3A_54, %dma_start3A_55] : memref<20000x128xf32, #tpu.memory_space<hbm>> -> memref<20000x128xf32, #tpu.memory_space<hbm>>
    tpu.enqueue_indirect_dma source(%dma_start3A_56 : memref<20000x128xf32, #tpu.memory_space<hbm>>) target(%arg10 : memref<128x128xf32, #tpu.memory_space<vmem>>) offsets(%dma_start3A_53 : memref<128xi32, #tpu.memory_space<vmem>>) semaphore(%arg13 : memref<!tpu.dma_semaphore, #tpu.memory_space<semaphore_mem>>)
    %eq3A_57 = arith.constant 0 : i32
    %eq3A_58 = arith.cmpi eq, %arg0, %eq3A_57 : i32
    %convert_element_type3A_59 = arith.extui %eq3A_58 : i1 to i32
    %cond3A_60 = arith.constant 0 : i32
    %cond3A_61 = arith.cmpi ne, %convert_element_type3A_59, %cond3A_60 : i32
    scf.if %cond3A_61 {
      %dma_start3A_91 = arith.constant 1 : i32
      %dma_start3A_92 = arith.constant 1 : i32
      %dma_start3A_93 = arith.constant 0 : i32
      %dma_start3A_94 = tpu.memref_slice %arg8[%dma_start3A_92, %dma_start3A_93] : memref<2x128xi32, #tpu.memory_space<vmem>> -> memref<1x128xi32, #tpu.memory_space<vmem>>
      %dma_start3A_95 = tpu.memref_squeeze %dma_start3A_94 : memref<1x128xi32, #tpu.memory_space<vmem>> -> memref<128xi32, #tpu.memory_space<vmem>>
      %dma_start3A_96 = arith.constant 0 : i32
      %dma_start3A_97 = tpu.memref_slice %arg3[%arg1, %dma_start3A_91, %dma_start3A_96] : memref<16x158x128xi32, #tpu.memory_space<hbm>> -> memref<1x1x128xi32, #tpu.memory_space<hbm>>
      %dma_start3A_98 = tpu.memref_squeeze %dma_start3A_97 : memref<1x1x128xi32, #tpu.memory_space<hbm>> -> memref<128xi32, #tpu.memory_space<hbm>>
      %dma_start3A_99 = arith.constant 0 : i32
      %dma_start3A_100 = tpu.memref_slice %arg8[%dma_start3A_92, %dma_start3A_99] : memref<2x128xi32, #tpu.memory_space<vmem>> -> memref<1x128xi32, #tpu.memory_space<vmem>>
      %dma_start3A_101 = tpu.memref_squeeze %dma_start3A_100 : memref<1x128xi32, #tpu.memory_space<vmem>> -> memref<128xi32, #tpu.memory_space<vmem>>
      %dma_start3A_102 = arith.constant 0 : i32
      %dma_start3A_103 = tpu.memref_slice %arg3[%arg1, %dma_start3A_91, %dma_start3A_102] : memref<16x158x128xi32, #tpu.memory_space<hbm>> -> memref<1x1x128xi32, #tpu.memory_space<hbm>>
      %dma_start3A_104 = tpu.memref_squeeze %dma_start3A_103 : memref<1x1x128xi32, #tpu.memory_space<hbm>> -> memref<128xi32, #tpu.memory_space<hbm>>
      tpu.enqueue_dma source(%dma_start3A_104 : memref<128xi32, #tpu.memory_space<hbm>>) target(%dma_start3A_101 : memref<128xi32, #tpu.memory_space<vmem>>) target_semaphore(%arg14 : memref<!tpu.dma_semaphore, #tpu.memory_space<semaphore_mem>>)
    } else {
    }
    %eq3A_62 = arith.constant 1 : i32
    %eq3A_63 = arith.cmpi eq, %arg0, %eq3A_62 : i32
    %convert_element_type3A_64 = arith.extui %eq3A_63 : i1 to i32
    %cond3A_65 = arith.constant 0 : i32
    %cond3A_66 = arith.cmpi ne, %convert_element_type3A_64, %cond3A_65 : i32
    scf.if %cond3A_66 {
      %dma_start3A_91 = arith.constant 1 : i32
      %dma_start3A_92 = arith.constant 1 : i32
      %dma_start3A_93 = arith.constant 0 : i32
      %dma_start3A_94 = tpu.memref_slice %arg8[%dma_start3A_92, %dma_start3A_93] : memref<2x128xi32, #tpu.memory_space<vmem>> -> memref<1x128xi32, #tpu.memory_space<vmem>>
      %dma_start3A_95 = tpu.memref_squeeze %dma_start3A_94 : memref<1x128xi32, #tpu.memory_space<vmem>> -> memref<128xi32, #tpu.memory_space<vmem>>
      %dma_start3A_96 = arith.constant 0 : i32
      %dma_start3A_97 = tpu.memref_slice %arg4[%arg1, %dma_start3A_91, %dma_start3A_96] : memref<16x158x128xi32, #tpu.memory_space<hbm>> -> memref<1x1x128xi32, #tpu.memory_space<hbm>>
      %dma_start3A_98 = tpu.memref_squeeze %dma_start3A_97 : memref<1x1x128xi32, #tpu.memory_space<hbm>> -> memref<128xi32, #tpu.memory_space<hbm>>
      %dma_start3A_99 = arith.constant 0 : i32
      %dma_start3A_100 = tpu.memref_slice %arg8[%dma_start3A_92, %dma_start3A_99] : memref<2x128xi32, #tpu.memory_space<vmem>> -> memref<1x128xi32, #tpu.memory_space<vmem>>
      %dma_start3A_101 = tpu.memref_squeeze %dma_start3A_100 : memref<1x128xi32, #tpu.memory_space<vmem>> -> memref<128xi32, #tpu.memory_space<vmem>>
      %dma_start3A_102 = arith.constant 0 : i32
      %dma_start3A_103 = tpu.memref_slice %arg4[%arg1, %dma_start3A_91, %dma_start3A_102] : memref<16x158x128xi32, #tpu.memory_space<hbm>> -> memref<1x1x128xi32, #tpu.memory_space<hbm>>
      %dma_start3A_104 = tpu.memref_squeeze %dma_start3A_103 : memref<1x1x128xi32, #tpu.memory_space<hbm>> -> memref<128xi32, #tpu.memory_space<hbm>>
      tpu.enqueue_dma source(%dma_start3A_104 : memref<128xi32, #tpu.memory_space<hbm>>) target(%dma_start3A_101 : memref<128xi32, #tpu.memory_space<vmem>>) target_semaphore(%arg14 : memref<!tpu.dma_semaphore, #tpu.memory_space<semaphore_mem>>)
    } else {
    }
    %dma_start3A_67 = arith.constant 1 : i32
    %dma_start3A_68 = arith.constant 1 : i32
    %dma_start3A_69 = arith.constant 0 : i32
    %dma_start3A_70 = tpu.memref_slice %arg9[%dma_start3A_68, %dma_start3A_69] : memref<2x128xi32, #tpu.memory_space<vmem>> -> memref<1x128xi32, #tpu.memory_space<vmem>>
    %dma_start3A_71 = tpu.memref_squeeze %dma_start3A_70 : memref<1x128xi32, #tpu.memory_space<vmem>> -> memref<128xi32, #tpu.memory_space<vmem>>
    %dma_start3A_72 = arith.constant 0 : i32
    %dma_start3A_73 = tpu.memref_slice %arg5[%arg1, %dma_start3A_67, %dma_start3A_72] : memref<16x158x128xi32, #tpu.memory_space<hbm>> -> memref<1x1x128xi32, #tpu.memory_space<hbm>>
    %dma_start3A_74 = tpu.memref_squeeze %dma_start3A_73 : memref<1x1x128xi32, #tpu.memory_space<hbm>> -> memref<128xi32, #tpu.memory_space<hbm>>
    %dma_start3A_75 = arith.constant 0 : i32
    %dma_start3A_76 = tpu.memref_slice %arg9[%dma_start3A_68, %dma_start3A_75] : memref<2x128xi32, #tpu.memory_space<vmem>> -> memref<1x128xi32, #tpu.memory_space<vmem>>
    %dma_start3A_77 = tpu.memref_squeeze %dma_start3A_76 : memref<1x128xi32, #tpu.memory_space<vmem>> -> memref<128xi32, #tpu.memory_space<vmem>>
    %dma_start3A_78 = arith.constant 0 : i32
    %dma_start3A_79 = tpu.memref_slice %arg5[%arg1, %dma_start3A_67, %dma_start3A_78] : memref<16x158x128xi32, #tpu.memory_space<hbm>> -> memref<1x1x128xi32, #tpu.memory_space<hbm>>
    %dma_start3A_80 = tpu.memref_squeeze %dma_start3A_79 : memref<1x1x128xi32, #tpu.memory_space<hbm>> -> memref<128xi32, #tpu.memory_space<hbm>>
    tpu.enqueue_dma source(%dma_start3A_80 : memref<128xi32, #tpu.memory_space<hbm>>) target(%dma_start3A_77 : memref<128xi32, #tpu.memory_space<vmem>>) target_semaphore(%arg14 : memref<!tpu.dma_semaphore, #tpu.memory_space<semaphore_mem>>)
    %scan3A = arith.constant 0 : i32
    %scan3A_81 = arith.constant 0 : i32
    %scan3A_82 = arith.constant 79 : i32
    %scan3A_83 = arith.addi %scan3A_81, %scan3A_82 : i32
    %scan3A_84 = arith.constant 1 : i32
    scf.for %scan3A_91 = %scan3A_81 to %scan3A_83 step %scan3A_84  : i32 {
      %mul3A_92 = arith.constant 2 : i32
      %mul3A_93 = arith.muli %mul3A_92, %scan3A_91 : i32
      %add3A = arith.constant 1 : i32
      %add3A_94 = arith.addi %mul3A_93, %add3A : i32
      %lt3A = arith.constant 158 : i32
      %lt3A_95 = arith.cmpi slt, %add3A_94, %lt3A : i32
      %convert_element_type3A_96 = arith.extui %lt3A_95 : i1 to i32
      %cond3A_97 = arith.constant 0 : i32
      %cond3A_98 = arith.cmpi ne, %convert_element_type3A_96, %cond3A_97 : i32
      scf.if %cond3A_98 {
        %add3A_137 = arith.constant 1 : i32
        %add3A_138 = arith.addi %mul3A_93, %add3A_137 : i32
        %dma_wait3A_139 = arith.constant 1 : i32
        %dma_wait3A_140 = arith.constant 0 : i32
        %dma_wait3A_141 = tpu.memref_slice %arg8[%dma_wait3A_139, %dma_wait3A_140] : memref<2x128xi32, #tpu.memory_space<vmem>> -> memref<1x128xi32, #tpu.memory_space<vmem>>
        %dma_wait3A_142 = tpu.memref_squeeze %dma_wait3A_141 : memref<1x128xi32, #tpu.memory_space<vmem>> -> memref<128xi32, #tpu.memory_space<vmem>>
        %dma_wait3A_143 = arith.constant 0 : i32
        %dma_wait3A_144 = tpu.memref_slice %arg3[%arg1, %add3A_138, %dma_wait3A_143] : memref<16x158x128xi32, #tpu.memory_space<hbm>> -> memref<1x1x128xi32, #tpu.memory_space<hbm>>
        %dma_wait3A_145 = tpu.memref_squeeze %dma_wait3A_144 : memref<1x1x128xi32, #tpu.memory_space<hbm>> -> memref<128xi32, #tpu.memory_space<hbm>>
        %dma_wait3A_146 = arith.constant 0 : i32
        %dma_wait3A_147 = tpu.memref_slice %arg8[%dma_wait3A_139, %dma_wait3A_146] : memref<2x128xi32, #tpu.memory_space<vmem>> -> memref<1x128xi32, #tpu.memory_space<vmem>>
        %dma_wait3A_148 = tpu.memref_squeeze %dma_wait3A_147 : memref<1x128xi32, #tpu.memory_space<vmem>> -> memref<128xi32, #tpu.memory_space<vmem>>
        %dma_wait3A_149 = arith.constant 0 : i32
        %dma_wait3A_150 = tpu.memref_slice %arg3[%arg1, %add3A_138, %dma_wait3A_149] : memref<16x158x128xi32, #tpu.memory_space<hbm>> -> memref<1x1x128xi32, #tpu.memory_space<hbm>>
        %dma_wait3A_151 = tpu.memref_squeeze %dma_wait3A_150 : memref<1x1x128xi32, #tpu.memory_space<hbm>> -> memref<128xi32, #tpu.memory_space<hbm>>
        tpu.wait_dma2 semaphore(%arg14 : memref<!tpu.dma_semaphore, #tpu.memory_space<semaphore_mem>>) src(%dma_wait3A_151 : memref<128xi32, #tpu.memory_space<hbm>>) dst(%dma_wait3A_148 : memref<128xi32, #tpu.memory_space<vmem>>)
        %dma_wait3A_152 = arith.constant 1 : i32
        %dma_wait3A_153 = arith.constant 0 : i32
        %dma_wait3A_154 = tpu.memref_slice %arg9[%dma_wait3A_152, %dma_wait3A_153] : memref<2x128xi32, #tpu.memory_space<vmem>> -> memref<1x128xi32, #tpu.memory_space<vmem>>
        %dma_wait3A_155 = tpu.memref_squeeze %dma_wait3A_154 : memref<1x128xi32, #tpu.memory_space<vmem>> -> memref<128xi32, #tpu.memory_space<vmem>>
        %dma_wait3A_156 = arith.constant 0 : i32
        %dma_wait3A_157 = tpu.memref_slice %arg5[%arg1, %add3A_138, %dma_wait3A_156] : memref<16x158x128xi32, #tpu.memory_space<hbm>> -> memref<1x1x128xi32, #tpu.memory_space<hbm>>
        %dma_wait3A_158 = tpu.memref_squeeze %dma_wait3A_157 : memref<1x1x128xi32, #tpu.memory_space<hbm>> -> memref<128xi32, #tpu.memory_space<hbm>>
        %dma_wait3A_159 = arith.constant 0 : i32
        %dma_wait3A_160 = tpu.memref_slice %arg9[%dma_wait3A_152, %dma_wait3A_159] : memref<2x128xi32, #tpu.memory_space<vmem>> -> memref<1x128xi32, #tpu.memory_space<vmem>>
        %dma_wait3A_161 = tpu.memref_squeeze %dma_wait3A_160 : memref<1x128xi32, #tpu.memory_space<vmem>> -> memref<128xi32, #tpu.memory_space<vmem>>
        %dma_wait3A_162 = arith.constant 0 : i32
        %dma_wait3A_163 = tpu.memref_slice %arg5[%arg1, %add3A_138, %dma_wait3A_162] : memref<16x158x128xi32, #tpu.memory_space<hbm>> -> memref<1x1x128xi32, #tpu.memory_space<hbm>>
        %dma_wait3A_164 = tpu.memref_squeeze %dma_wait3A_163 : memref<1x1x128xi32, #tpu.memory_space<hbm>> -> memref<128xi32, #tpu.memory_space<hbm>>
        tpu.wait_dma2 semaphore(%arg14 : memref<!tpu.dma_semaphore, #tpu.memory_space<semaphore_mem>>) src(%dma_wait3A_164 : memref<128xi32, #tpu.memory_space<hbm>>) dst(%dma_wait3A_161 : memref<128xi32, #tpu.memory_space<vmem>>)
        %dma_start3A_165 = arith.constant 1 : i32
        %dma_start3A_166 = arith.constant 0 : i32
        %dma_start3A_167 = tpu.memref_slice %arg8[%dma_start3A_165, %dma_start3A_166] : memref<2x128xi32, #tpu.memory_space<vmem>> -> memref<1x128xi32, #tpu.memory_space<vmem>>
        %dma_start3A_168 = tpu.memref_squeeze %dma_start3A_167 : memref<1x128xi32, #tpu.memory_space<vmem>> -> memref<128xi32, #tpu.memory_space<vmem>>
        %dma_start3A_169 = arith.constant 0 : i32
        %dma_start3A_170 = arith.constant 0 : i32
        %dma_start3A_171 = tpu.memref_slice %arg2[%dma_start3A_169, %dma_start3A_170] : memref<20000x128xf32, #tpu.memory_space<hbm>> -> memref<20000x128xf32, #tpu.memory_space<hbm>>
        tpu.enqueue_indirect_dma source(%dma_start3A_171 : memref<20000x128xf32, #tpu.memory_space<hbm>>) target(%arg11 : memref<128x128xf32, #tpu.memory_space<vmem>>) offsets(%dma_start3A_168 : memref<128xi32, #tpu.memory_space<vmem>>) semaphore(%arg13 : memref<!tpu.dma_semaphore, #tpu.memory_space<semaphore_mem>>)
      } else {
      }
      %dma_wait3A_99 = arith.constant 0 : i32
      %dma_wait3A_100 = arith.constant 0 : i32
      %dma_wait3A_101 = tpu.memref_slice %arg8[%dma_wait3A_99, %dma_wait3A_100] : memref<2x128xi32, #tpu.memory_space<vmem>> -> memref<1x128xi32, #tpu.memory_space<vmem>>
      %dma_wait3A_102 = tpu.memref_squeeze %dma_wait3A_101 : memref<1x128xi32, #tpu.memory_space<vmem>> -> memref<128xi32, #tpu.memory_space<vmem>>
      %dma_wait3A_103 = arith.constant 0 : i32
      %dma_wait3A_104 = arith.constant 0 : i32
      %dma_wait3A_105 = tpu.memref_slice %arg2[%dma_wait3A_103, %dma_wait3A_104] : memref<20000x128xf32, #tpu.memory_space<hbm>> -> memref<20000x128xf32, #tpu.memory_space<hbm>>
      tpu.wait_indirect_dma semaphore(%arg13 : memref<!tpu.dma_semaphore, #tpu.memory_space<semaphore_mem>>) src(%dma_wait3A_105 : memref<20000x128xf32, #tpu.memory_space<hbm>>) dst(%arg10 : memref<128x128xf32, #tpu.memory_space<vmem>>)
      %run_scoped3A = arith.constant 0 : i32
      "tpu.region"() ({
        %run_scoped3A_137 = tpu.sem_alloc : memref<!tpu.dma_semaphore, #tpu.memory_space<semaphore_mem>>
        %dma_start3A_138 = arith.constant 0 : i32
        %dma_start3A_139 = tpu.memref_slice %arg9[%run_scoped3A, %dma_start3A_138] : memref<2x128xi32, #tpu.memory_space<vmem>> -> memref<1x128xi32, #tpu.memory_space<vmem>>
        %dma_start3A_140 = tpu.memref_squeeze %dma_start3A_139 : memref<1x128xi32, #tpu.memory_space<vmem>> -> memref<128xi32, #tpu.memory_space<vmem>>
        %dma_start3A_141 = arith.constant 0 : i32
        %dma_start3A_142 = arith.constant 0 : i32
        %dma_start3A_143 = tpu.memref_slice %arg12[%dma_start3A_141, %dma_start3A_142] : memref<10240x128xf32, #tpu.memory_space<vmem_shared>> -> memref<10240x128xf32, #tpu.memory_space<vmem_shared>>
        tpu.enqueue_indirect_dma source(%arg10 : memref<128x128xf32, #tpu.memory_space<vmem>>) target(%dma_start3A_143 : memref<10240x128xf32, #tpu.memory_space<vmem_shared>>) offsets(%dma_start3A_140 : memref<128xi32, #tpu.memory_space<vmem>>) semaphore(%run_scoped3A_137 : memref<!tpu.dma_semaphore, #tpu.memory_space<semaphore_mem>>) {add = true}
        %dma_wait3A_144 = arith.constant 0 : i32
        %dma_wait3A_145 = tpu.memref_slice %arg9[%run_scoped3A, %dma_wait3A_144] : memref<2x128xi32, #tpu.memory_space<vmem>> -> memref<1x128xi32, #tpu.memory_space<vmem>>
        %dma_wait3A_146 = tpu.memref_squeeze %dma_wait3A_145 : memref<1x128xi32, #tpu.memory_space<vmem>> -> memref<128xi32, #tpu.memory_space<vmem>>
        %dma_wait3A_147 = arith.constant 0 : i32
        %dma_wait3A_148 = arith.constant 0 : i32
        %dma_wait3A_149 = tpu.memref_slice %arg12[%dma_wait3A_147, %dma_wait3A_148] : memref<10240x128xf32, #tpu.memory_space<vmem_shared>> -> memref<10240x128xf32, #tpu.memory_space<vmem_shared>>
        tpu.wait_indirect_dma semaphore(%run_scoped3A_137 : memref<!tpu.dma_semaphore, #tpu.memory_space<semaphore_mem>>) src(%arg10 : memref<128x128xf32, #tpu.memory_space<vmem>>) dst(%dma_wait3A_149 : memref<10240x128xf32, #tpu.memory_space<vmem_shared>>)
        tpu.yield
      }) : () -> ()
      %add3A_106 = arith.constant 2 : i32
      %add3A_107 = arith.addi %mul3A_93, %add3A_106 : i32
      %lt3A_108 = arith.constant 158 : i32
      %lt3A_109 = arith.cmpi slt, %add3A_107, %lt3A_108 : i32
      %convert_element_type3A_110 = arith.extui %lt3A_109 : i1 to i32
      %cond3A_111 = arith.constant 0 : i32
      %cond3A_112 = arith.cmpi ne, %convert_element_type3A_110, %cond3A_111 : i32
      scf.if %cond3A_112 {
        %add3A_137 = arith.constant 2 : i32
        %add3A_138 = arith.addi %mul3A_93, %add3A_137 : i32
        %eq3A_139 = arith.constant 0 : i32
        %eq3A_140 = arith.cmpi eq, %arg0, %eq3A_139 : i32
        %convert_element_type3A_141 = arith.extui %eq3A_140 : i1 to i32
        %cond3A_142 = arith.constant 0 : i32
        %cond3A_143 = arith.cmpi ne, %convert_element_type3A_141, %cond3A_142 : i32
        scf.if %cond3A_143 {
          %dma_start3A_162 = arith.constant 0 : i32
          %dma_start3A_163 = arith.constant 0 : i32
          %dma_start3A_164 = tpu.memref_slice %arg8[%dma_start3A_162, %dma_start3A_163] : memref<2x128xi32, #tpu.memory_space<vmem>> -> memref<1x128xi32, #tpu.memory_space<vmem>>
          %dma_start3A_165 = tpu.memref_squeeze %dma_start3A_164 : memref<1x128xi32, #tpu.memory_space<vmem>> -> memref<128xi32, #tpu.memory_space<vmem>>
          %dma_start3A_166 = arith.constant 0 : i32
          %dma_start3A_167 = tpu.memref_slice %arg3[%arg1, %add3A_138, %dma_start3A_166] : memref<16x158x128xi32, #tpu.memory_space<hbm>> -> memref<1x1x128xi32, #tpu.memory_space<hbm>>
          %dma_start3A_168 = tpu.memref_squeeze %dma_start3A_167 : memref<1x1x128xi32, #tpu.memory_space<hbm>> -> memref<128xi32, #tpu.memory_space<hbm>>
          %dma_start3A_169 = arith.constant 0 : i32
          %dma_start3A_170 = tpu.memref_slice %arg8[%dma_start3A_162, %dma_start3A_169] : memref<2x128xi32, #tpu.memory_space<vmem>> -> memref<1x128xi32, #tpu.memory_space<vmem>>
          %dma_start3A_171 = tpu.memref_squeeze %dma_start3A_170 : memref<1x128xi32, #tpu.memory_space<vmem>> -> memref<128xi32, #tpu.memory_space<vmem>>
          %dma_start3A_172 = arith.constant 0 : i32
          %dma_start3A_173 = tpu.memref_slice %arg3[%arg1, %add3A_138, %dma_start3A_172] : memref<16x158x128xi32, #tpu.memory_space<hbm>> -> memref<1x1x128xi32, #tpu.memory_space<hbm>>
          %dma_start3A_174 = tpu.memref_squeeze %dma_start3A_173 : memref<1x1x128xi32, #tpu.memory_space<hbm>> -> memref<128xi32, #tpu.memory_space<hbm>>
          tpu.enqueue_dma source(%dma_start3A_174 : memref<128xi32, #tpu.memory_space<hbm>>) target(%dma_start3A_171 : memref<128xi32, #tpu.memory_space<vmem>>) target_semaphore(%arg14 : memref<!tpu.dma_semaphore, #tpu.memory_space<semaphore_mem>>)
        } else {
        }
        %eq3A_144 = arith.constant 1 : i32
        %eq3A_145 = arith.cmpi eq, %arg0, %eq3A_144 : i32
        %convert_element_type3A_146 = arith.extui %eq3A_145 : i1 to i32
        %cond3A_147 = arith.constant 0 : i32
        %cond3A_148 = arith.cmpi ne, %convert_element_type3A_146, %cond3A_147 : i32
        scf.if %cond3A_148 {
          %dma_start3A_162 = arith.constant 0 : i32
          %dma_start3A_163 = arith.constant 0 : i32
          %dma_start3A_164 = tpu.memref_slice %arg8[%dma_start3A_162, %dma_start3A_163] : memref<2x128xi32, #tpu.memory_space<vmem>> -> memref<1x128xi32, #tpu.memory_space<vmem>>
          %dma_start3A_165 = tpu.memref_squeeze %dma_start3A_164 : memref<1x128xi32, #tpu.memory_space<vmem>> -> memref<128xi32, #tpu.memory_space<vmem>>
          %dma_start3A_166 = arith.constant 0 : i32
          %dma_start3A_167 = tpu.memref_slice %arg4[%arg1, %add3A_138, %dma_start3A_166] : memref<16x158x128xi32, #tpu.memory_space<hbm>> -> memref<1x1x128xi32, #tpu.memory_space<hbm>>
          %dma_start3A_168 = tpu.memref_squeeze %dma_start3A_167 : memref<1x1x128xi32, #tpu.memory_space<hbm>> -> memref<128xi32, #tpu.memory_space<hbm>>
          %dma_start3A_169 = arith.constant 0 : i32
          %dma_start3A_170 = tpu.memref_slice %arg8[%dma_start3A_162, %dma_start3A_169] : memref<2x128xi32, #tpu.memory_space<vmem>> -> memref<1x128xi32, #tpu.memory_space<vmem>>
          %dma_start3A_171 = tpu.memref_squeeze %dma_start3A_170 : memref<1x128xi32, #tpu.memory_space<vmem>> -> memref<128xi32, #tpu.memory_space<vmem>>
          %dma_start3A_172 = arith.constant 0 : i32
          %dma_start3A_173 = tpu.memref_slice %arg4[%arg1, %add3A_138, %dma_start3A_172] : memref<16x158x128xi32, #tpu.memory_space<hbm>> -> memref<1x1x128xi32, #tpu.memory_space<hbm>>
          %dma_start3A_174 = tpu.memref_squeeze %dma_start3A_173 : memref<1x1x128xi32, #tpu.memory_space<hbm>> -> memref<128xi32, #tpu.memory_space<hbm>>
          tpu.enqueue_dma source(%dma_start3A_174 : memref<128xi32, #tpu.memory_space<hbm>>) target(%dma_start3A_171 : memref<128xi32, #tpu.memory_space<vmem>>) target_semaphore(%arg14 : memref<!tpu.dma_semaphore, #tpu.memory_space<semaphore_mem>>)
        } else {
        }
        %dma_start3A_149 = arith.constant 0 : i32
        %dma_start3A_150 = arith.constant 0 : i32
        %dma_start3A_151 = tpu.memref_slice %arg9[%dma_start3A_149, %dma_start3A_150] : memref<2x128xi32, #tpu.memory_space<vmem>> -> memref<1x128xi32, #tpu.memory_space<vmem>>
        %dma_start3A_152 = tpu.memref_squeeze %dma_start3A_151 : memref<1x128xi32, #tpu.memory_space<vmem>> -> memref<128xi32, #tpu.memory_space<vmem>>
        %dma_start3A_153 = arith.constant 0 : i32
        %dma_start3A_154 = tpu.memref_slice %arg5[%arg1, %add3A_138, %dma_start3A_153] : memref<16x158x128xi32, #tpu.memory_space<hbm>> -> memref<1x1x128xi32, #tpu.memory_space<hbm>>
        %dma_start3A_155 = tpu.memref_squeeze %dma_start3A_154 : memref<1x1x128xi32, #tpu.memory_space<hbm>> -> memref<128xi32, #tpu.memory_space<hbm>>
        %dma_start3A_156 = arith.constant 0 : i32
        %dma_start3A_157 = tpu.memref_slice %arg9[%dma_start3A_149, %dma_start3A_156] : memref<2x128xi32, #tpu.memory_space<vmem>> -> memref<1x128xi32, #tpu.memory_space<vmem>>
        %dma_start3A_158 = tpu.memref_squeeze %dma_start3A_157 : memref<1x128xi32, #tpu.memory_space<vmem>> -> memref<128xi32, #tpu.memory_space<vmem>>
        %dma_start3A_159 = arith.constant 0 : i32
        %dma_start3A_160 = tpu.memref_slice %arg5[%arg1, %add3A_138, %dma_start3A_159] : memref<16x158x128xi32, #tpu.memory_space<hbm>> -> memref<1x1x128xi32, #tpu.memory_space<hbm>>
        %dma_start3A_161 = tpu.memref_squeeze %dma_start3A_160 : memref<1x1x128xi32, #tpu.memory_space<hbm>> -> memref<128xi32, #tpu.memory_space<hbm>>
        tpu.enqueue_dma source(%dma_start3A_161 : memref<128xi32, #tpu.memory_space<hbm>>) target(%dma_start3A_158 : memref<128xi32, #tpu.memory_space<vmem>>) target_semaphore(%arg14 : memref<!tpu.dma_semaphore, #tpu.memory_space<semaphore_mem>>)
      } else {
      }
      %add3A_113 = arith.constant 1 : i32
      %add3A_114 = arith.addi %mul3A_93, %add3A_113 : i32
      %add3A_115 = arith.constant 1 : i32
      %add3A_116 = arith.addi %add3A_114, %add3A_115 : i32
      %lt3A_117 = arith.constant 158 : i32
      %lt3A_118 = arith.cmpi slt, %add3A_116, %lt3A_117 : i32
      %convert_element_type3A_119 = arith.extui %lt3A_118 : i1 to i32
      %cond3A_120 = arith.constant 0 : i32
      %cond3A_121 = arith.cmpi ne, %convert_element_type3A_119, %cond3A_120 : i32
      scf.if %cond3A_121 {
        %add3A_137 = arith.constant 1 : i32
        %add3A_138 = arith.addi %add3A_114, %add3A_137 : i32
        %dma_wait3A_139 = arith.constant 0 : i32
        %dma_wait3A_140 = arith.constant 0 : i32
        %dma_wait3A_141 = tpu.memref_slice %arg8[%dma_wait3A_139, %dma_wait3A_140] : memref<2x128xi32, #tpu.memory_space<vmem>> -> memref<1x128xi32, #tpu.memory_space<vmem>>
        %dma_wait3A_142 = tpu.memref_squeeze %dma_wait3A_141 : memref<1x128xi32, #tpu.memory_space<vmem>> -> memref<128xi32, #tpu.memory_space<vmem>>
        %dma_wait3A_143 = arith.constant 0 : i32
        %dma_wait3A_144 = tpu.memref_slice %arg3[%arg1, %add3A_138, %dma_wait3A_143] : memref<16x158x128xi32, #tpu.memory_space<hbm>> -> memref<1x1x128xi32, #tpu.memory_space<hbm>>
        %dma_wait3A_145 = tpu.memref_squeeze %dma_wait3A_144 : memref<1x1x128xi32, #tpu.memory_space<hbm>> -> memref<128xi32, #tpu.memory_space<hbm>>
        %dma_wait3A_146 = arith.constant 0 : i32
        %dma_wait3A_147 = tpu.memref_slice %arg8[%dma_wait3A_139, %dma_wait3A_146] : memref<2x128xi32, #tpu.memory_space<vmem>> -> memref<1x128xi32, #tpu.memory_space<vmem>>
        %dma_wait3A_148 = tpu.memref_squeeze %dma_wait3A_147 : memref<1x128xi32, #tpu.memory_space<vmem>> -> memref<128xi32, #tpu.memory_space<vmem>>
        %dma_wait3A_149 = arith.constant 0 : i32
        %dma_wait3A_150 = tpu.memref_slice %arg3[%arg1, %add3A_138, %dma_wait3A_149] : memref<16x158x128xi32, #tpu.memory_space<hbm>> -> memref<1x1x128xi32, #tpu.memory_space<hbm>>
        %dma_wait3A_151 = tpu.memref_squeeze %dma_wait3A_150 : memref<1x1x128xi32, #tpu.memory_space<hbm>> -> memref<128xi32, #tpu.memory_space<hbm>>
        tpu.wait_dma2 semaphore(%arg14 : memref<!tpu.dma_semaphore, #tpu.memory_space<semaphore_mem>>) src(%dma_wait3A_151 : memref<128xi32, #tpu.memory_space<hbm>>) dst(%dma_wait3A_148 : memref<128xi32, #tpu.memory_space<vmem>>)
        %dma_wait3A_152 = arith.constant 0 : i32
        %dma_wait3A_153 = arith.constant 0 : i32
        %dma_wait3A_154 = tpu.memref_slice %arg9[%dma_wait3A_152, %dma_wait3A_153] : memref<2x128xi32, #tpu.memory_space<vmem>> -> memref<1x128xi32, #tpu.memory_space<vmem>>
        %dma_wait3A_155 = tpu.memref_squeeze %dma_wait3A_154 : memref<1x128xi32, #tpu.memory_space<vmem>> -> memref<128xi32, #tpu.memory_space<vmem>>
        %dma_wait3A_156 = arith.constant 0 : i32
        %dma_wait3A_157 = tpu.memref_slice %arg5[%arg1, %add3A_138, %dma_wait3A_156] : memref<16x158x128xi32, #tpu.memory_space<hbm>> -> memref<1x1x128xi32, #tpu.memory_space<hbm>>
        %dma_wait3A_158 = tpu.memref_squeeze %dma_wait3A_157 : memref<1x1x128xi32, #tpu.memory_space<hbm>> -> memref<128xi32, #tpu.memory_space<hbm>>
        %dma_wait3A_159 = arith.constant 0 : i32
        %dma_wait3A_160 = tpu.memref_slice %arg9[%dma_wait3A_152, %dma_wait3A_159] : memref<2x128xi32, #tpu.memory_space<vmem>> -> memref<1x128xi32, #tpu.memory_space<vmem>>
        %dma_wait3A_161 = tpu.memref_squeeze %dma_wait3A_160 : memref<1x128xi32, #tpu.memory_space<vmem>> -> memref<128xi32, #tpu.memory_space<vmem>>
        %dma_wait3A_162 = arith.constant 0 : i32
        %dma_wait3A_163 = tpu.memref_slice %arg5[%arg1, %add3A_138, %dma_wait3A_162] : memref<16x158x128xi32, #tpu.memory_space<hbm>> -> memref<1x1x128xi32, #tpu.memory_space<hbm>>
        %dma_wait3A_164 = tpu.memref_squeeze %dma_wait3A_163 : memref<1x1x128xi32, #tpu.memory_space<hbm>> -> memref<128xi32, #tpu.memory_space<hbm>>
        tpu.wait_dma2 semaphore(%arg14 : memref<!tpu.dma_semaphore, #tpu.memory_space<semaphore_mem>>) src(%dma_wait3A_164 : memref<128xi32, #tpu.memory_space<hbm>>) dst(%dma_wait3A_161 : memref<128xi32, #tpu.memory_space<vmem>>)
        %dma_start3A_165 = arith.constant 0 : i32
        %dma_start3A_166 = arith.constant 0 : i32
        %dma_start3A_167 = tpu.memref_slice %arg8[%dma_start3A_165, %dma_start3A_166] : memref<2x128xi32, #tpu.memory_space<vmem>> -> memref<1x128xi32, #tpu.memory_space<vmem>>
        %dma_start3A_168 = tpu.memref_squeeze %dma_start3A_167 : memref<1x128xi32, #tpu.memory_space<vmem>> -> memref<128xi32, #tpu.memory_space<vmem>>
        %dma_start3A_169 = arith.constant 0 : i32
        %dma_start3A_170 = arith.constant 0 : i32
        %dma_start3A_171 = tpu.memref_slice %arg2[%dma_start3A_169, %dma_start3A_170] : memref<20000x128xf32, #tpu.memory_space<hbm>> -> memref<20000x128xf32, #tpu.memory_space<hbm>>
        tpu.enqueue_indirect_dma source(%dma_start3A_171 : memref<20000x128xf32, #tpu.memory_space<hbm>>) target(%arg10 : memref<128x128xf32, #tpu.memory_space<vmem>>) offsets(%dma_start3A_168 : memref<128xi32, #tpu.memory_space<vmem>>) semaphore(%arg13 : memref<!tpu.dma_semaphore, #tpu.memory_space<semaphore_mem>>)
      } else {
      }
      %dma_wait3A_122 = arith.constant 1 : i32
      %dma_wait3A_123 = arith.constant 0 : i32
      %dma_wait3A_124 = tpu.memref_slice %arg8[%dma_wait3A_122, %dma_wait3A_123] : memref<2x128xi32, #tpu.memory_space<vmem>> -> memref<1x128xi32, #tpu.memory_space<vmem>>
      %dma_wait3A_125 = tpu.memref_squeeze %dma_wait3A_124 : memref<1x128xi32, #tpu.memory_space<vmem>> -> memref<128xi32, #tpu.memory_space<vmem>>
      %dma_wait3A_126 = arith.constant 0 : i32
      %dma_wait3A_127 = arith.constant 0 : i32
      %dma_wait3A_128 = tpu.memref_slice %arg2[%dma_wait3A_126, %dma_wait3A_127] : memref<20000x128xf32, #tpu.memory_space<hbm>> -> memref<20000x128xf32, #tpu.memory_space<hbm>>
      tpu.wait_indirect_dma semaphore(%arg13 : memref<!tpu.dma_semaphore, #tpu.memory_space<semaphore_mem>>) src(%dma_wait3A_128 : memref<20000x128xf32, #tpu.memory_space<hbm>>) dst(%arg11 : memref<128x128xf32, #tpu.memory_space<vmem>>)
      %run_scoped3A_129 = arith.constant 1 : i32
      "tpu.region"() ({
        %run_scoped3A_137 = tpu.sem_alloc : memref<!tpu.dma_semaphore, #tpu.memory_space<semaphore_mem>>
        %dma_start3A_138 = arith.constant 0 : i32
        %dma_start3A_139 = tpu.memref_slice %arg9[%run_scoped3A_129, %dma_start3A_138] : memref<2x128xi32, #tpu.memory_space<vmem>> -> memref<1x128xi32, #tpu.memory_space<vmem>>
        %dma_start3A_140 = tpu.memref_squeeze %dma_start3A_139 : memref<1x128xi32, #tpu.memory_space<vmem>> -> memref<128xi32, #tpu.memory_space<vmem>>
        %dma_start3A_141 = arith.constant 0 : i32
        %dma_start3A_142 = arith.constant 0 : i32
        %dma_start3A_143 = tpu.memref_slice %arg12[%dma_start3A_141, %dma_start3A_142] : memref<10240x128xf32, #tpu.memory_space<vmem_shared>> -> memref<10240x128xf32, #tpu.memory_space<vmem_shared>>
        tpu.enqueue_indirect_dma source(%arg11 : memref<128x128xf32, #tpu.memory_space<vmem>>) target(%dma_start3A_143 : memref<10240x128xf32, #tpu.memory_space<vmem_shared>>) offsets(%dma_start3A_140 : memref<128xi32, #tpu.memory_space<vmem>>) semaphore(%run_scoped3A_137 : memref<!tpu.dma_semaphore, #tpu.memory_space<semaphore_mem>>) {add = true}
        %dma_wait3A_144 = arith.constant 0 : i32
        %dma_wait3A_145 = tpu.memref_slice %arg9[%run_scoped3A_129, %dma_wait3A_144] : memref<2x128xi32, #tpu.memory_space<vmem>> -> memref<1x128xi32, #tpu.memory_space<vmem>>
        %dma_wait3A_146 = tpu.memref_squeeze %dma_wait3A_145 : memref<1x128xi32, #tpu.memory_space<vmem>> -> memref<128xi32, #tpu.memory_space<vmem>>
        %dma_wait3A_147 = arith.constant 0 : i32
        %dma_wait3A_148 = arith.constant 0 : i32
        %dma_wait3A_149 = tpu.memref_slice %arg12[%dma_wait3A_147, %dma_wait3A_148] : memref<10240x128xf32, #tpu.memory_space<vmem_shared>> -> memref<10240x128xf32, #tpu.memory_space<vmem_shared>>
        tpu.wait_indirect_dma semaphore(%run_scoped3A_137 : memref<!tpu.dma_semaphore, #tpu.memory_space<semaphore_mem>>) src(%arg11 : memref<128x128xf32, #tpu.memory_space<vmem>>) dst(%dma_wait3A_149 : memref<10240x128xf32, #tpu.memory_space<vmem_shared>>)
        tpu.yield
      }) : () -> ()
      %add3A_130 = arith.constant 2 : i32
      %add3A_131 = arith.addi %add3A_114, %add3A_130 : i32
      %lt3A_132 = arith.constant 158 : i32
      %lt3A_133 = arith.cmpi slt, %add3A_131, %lt3A_132 : i32
      %convert_element_type3A_134 = arith.extui %lt3A_133 : i1 to i32
      %cond3A_135 = arith.constant 0 : i32
      %cond3A_136 = arith.cmpi ne, %convert_element_type3A_134, %cond3A_135 : i32
      scf.if %cond3A_136 {
        %add3A_137 = arith.constant 2 : i32
        %add3A_138 = arith.addi %add3A_114, %add3A_137 : i32
        %eq3A_139 = arith.constant 0 : i32
        %eq3A_140 = arith.cmpi eq, %arg0, %eq3A_139 : i32
        %convert_element_type3A_141 = arith.extui %eq3A_140 : i1 to i32
        %cond3A_142 = arith.constant 0 : i32
        %cond3A_143 = arith.cmpi ne, %convert_element_type3A_141, %cond3A_142 : i32
        scf.if %cond3A_143 {
          %dma_start3A_162 = arith.constant 1 : i32
          %dma_start3A_163 = arith.constant 0 : i32
          %dma_start3A_164 = tpu.memref_slice %arg8[%dma_start3A_162, %dma_start3A_163] : memref<2x128xi32, #tpu.memory_space<vmem>> -> memref<1x128xi32, #tpu.memory_space<vmem>>
          %dma_start3A_165 = tpu.memref_squeeze %dma_start3A_164 : memref<1x128xi32, #tpu.memory_space<vmem>> -> memref<128xi32, #tpu.memory_space<vmem>>
          %dma_start3A_166 = arith.constant 0 : i32
          %dma_start3A_167 = tpu.memref_slice %arg3[%arg1, %add3A_138, %dma_start3A_166] : memref<16x158x128xi32, #tpu.memory_space<hbm>> -> memref<1x1x128xi32, #tpu.memory_space<hbm>>
          %dma_start3A_168 = tpu.memref_squeeze %dma_start3A_167 : memref<1x1x128xi32, #tpu.memory_space<hbm>> -> memref<128xi32, #tpu.memory_space<hbm>>
          %dma_start3A_169 = arith.constant 0 : i32
          %dma_start3A_170 = tpu.memref_slice %arg8[%dma_start3A_162, %dma_start3A_169] : memref<2x128xi32, #tpu.memory_space<vmem>> -> memref<1x128xi32, #tpu.memory_space<vmem>>
          %dma_start3A_171 = tpu.memref_squeeze %dma_start3A_170 : memref<1x128xi32, #tpu.memory_space<vmem>> -> memref<128xi32, #tpu.memory_space<vmem>>
          %dma_start3A_172 = arith.constant 0 : i32
          %dma_start3A_173 = tpu.memref_slice %arg3[%arg1, %add3A_138, %dma_start3A_172] : memref<16x158x128xi32, #tpu.memory_space<hbm>> -> memref<1x1x128xi32, #tpu.memory_space<hbm>>
          %dma_start3A_174 = tpu.memref_squeeze %dma_start3A_173 : memref<1x1x128xi32, #tpu.memory_space<hbm>> -> memref<128xi32, #tpu.memory_space<hbm>>
          tpu.enqueue_dma source(%dma_start3A_174 : memref<128xi32, #tpu.memory_space<hbm>>) target(%dma_start3A_171 : memref<128xi32, #tpu.memory_space<vmem>>) target_semaphore(%arg14 : memref<!tpu.dma_semaphore, #tpu.memory_space<semaphore_mem>>)
        } else {
        }
        %eq3A_144 = arith.constant 1 : i32
        %eq3A_145 = arith.cmpi eq, %arg0, %eq3A_144 : i32
        %convert_element_type3A_146 = arith.extui %eq3A_145 : i1 to i32
        %cond3A_147 = arith.constant 0 : i32
        %cond3A_148 = arith.cmpi ne, %convert_element_type3A_146, %cond3A_147 : i32
        scf.if %cond3A_148 {
          %dma_start3A_162 = arith.constant 1 : i32
          %dma_start3A_163 = arith.constant 0 : i32
          %dma_start3A_164 = tpu.memref_slice %arg8[%dma_start3A_162, %dma_start3A_163] : memref<2x128xi32, #tpu.memory_space<vmem>> -> memref<1x128xi32, #tpu.memory_space<vmem>>
          %dma_start3A_165 = tpu.memref_squeeze %dma_start3A_164 : memref<1x128xi32, #tpu.memory_space<vmem>> -> memref<128xi32, #tpu.memory_space<vmem>>
          %dma_start3A_166 = arith.constant 0 : i32
          %dma_start3A_167 = tpu.memref_slice %arg4[%arg1, %add3A_138, %dma_start3A_166] : memref<16x158x128xi32, #tpu.memory_space<hbm>> -> memref<1x1x128xi32, #tpu.memory_space<hbm>>
          %dma_start3A_168 = tpu.memref_squeeze %dma_start3A_167 : memref<1x1x128xi32, #tpu.memory_space<hbm>> -> memref<128xi32, #tpu.memory_space<hbm>>
          %dma_start3A_169 = arith.constant 0 : i32
          %dma_start3A_170 = tpu.memref_slice %arg8[%dma_start3A_162, %dma_start3A_169] : memref<2x128xi32, #tpu.memory_space<vmem>> -> memref<1x128xi32, #tpu.memory_space<vmem>>
          %dma_start3A_171 = tpu.memref_squeeze %dma_start3A_170 : memref<1x128xi32, #tpu.memory_space<vmem>> -> memref<128xi32, #tpu.memory_space<vmem>>
          %dma_start3A_172 = arith.constant 0 : i32
          %dma_start3A_173 = tpu.memref_slice %arg4[%arg1, %add3A_138, %dma_start3A_172] : memref<16x158x128xi32, #tpu.memory_space<hbm>> -> memref<1x1x128xi32, #tpu.memory_space<hbm>>
          %dma_start3A_174 = tpu.memref_squeeze %dma_start3A_173 : memref<1x1x128xi32, #tpu.memory_space<hbm>> -> memref<128xi32, #tpu.memory_space<hbm>>
          tpu.enqueue_dma source(%dma_start3A_174 : memref<128xi32, #tpu.memory_space<hbm>>) target(%dma_start3A_171 : memref<128xi32, #tpu.memory_space<vmem>>) target_semaphore(%arg14 : memref<!tpu.dma_semaphore, #tpu.memory_space<semaphore_mem>>)
        } else {
        }
        %dma_start3A_149 = arith.constant 1 : i32
        %dma_start3A_150 = arith.constant 0 : i32
        %dma_start3A_151 = tpu.memref_slice %arg9[%dma_start3A_149, %dma_start3A_150] : memref<2x128xi32, #tpu.memory_space<vmem>> -> memref<1x128xi32, #tpu.memory_space<vmem>>
        %dma_start3A_152 = tpu.memref_squeeze %dma_start3A_151 : memref<1x128xi32, #tpu.memory_space<vmem>> -> memref<128xi32, #tpu.memory_space<vmem>>
        %dma_start3A_153 = arith.constant 0 : i32
        %dma_start3A_154 = tpu.memref_slice %arg5[%arg1, %add3A_138, %dma_start3A_153] : memref<16x158x128xi32, #tpu.memory_space<hbm>> -> memref<1x1x128xi32, #tpu.memory_space<hbm>>
        %dma_start3A_155 = tpu.memref_squeeze %dma_start3A_154 : memref<1x1x128xi32, #tpu.memory_space<hbm>> -> memref<128xi32, #tpu.memory_space<hbm>>
        %dma_start3A_156 = arith.constant 0 : i32
        %dma_start3A_157 = tpu.memref_slice %arg9[%dma_start3A_149, %dma_start3A_156] : memref<2x128xi32, #tpu.memory_space<vmem>> -> memref<1x128xi32, #tpu.memory_space<vmem>>
        %dma_start3A_158 = tpu.memref_squeeze %dma_start3A_157 : memref<1x128xi32, #tpu.memory_space<vmem>> -> memref<128xi32, #tpu.memory_space<vmem>>
        %dma_start3A_159 = arith.constant 0 : i32
        %dma_start3A_160 = tpu.memref_slice %arg5[%arg1, %add3A_138, %dma_start3A_159] : memref<16x158x128xi32, #tpu.memory_space<hbm>> -> memref<1x1x128xi32, #tpu.memory_space<hbm>>
        %dma_start3A_161 = tpu.memref_squeeze %dma_start3A_160 : memref<1x1x128xi32, #tpu.memory_space<hbm>> -> memref<128xi32, #tpu.memory_space<hbm>>
        tpu.enqueue_dma source(%dma_start3A_161 : memref<128xi32, #tpu.memory_space<hbm>>) target(%dma_start3A_158 : memref<128xi32, #tpu.memory_space<vmem>>) target_semaphore(%arg14 : memref<!tpu.dma_semaphore, #tpu.memory_space<semaphore_mem>>)
      } else {
      }
    }
    %scan3A_85 = arith.constant 79 : i32
    %barrier3A_86 = arith.constant 0 : index
    tpu.barrier barrier_id(%barrier3A_86)
    %mul3A_87 = arith.constant 640 : i32
    %mul3A_88 = arith.muli %arg1, %mul3A_87 : i32
    %mul3A_89 = arith.constant 640 : i32
    %mul3A_90 = arith.muli %arg1, %mul3A_89 : i32
    "tpu.region"() ({
      %run_scoped3A = tpu.sem_alloc : memref<!tpu.dma_semaphore, #tpu.memory_space<semaphore_mem>>
      %dma_start3A_91 = arith.constant 0 : i32
      %dma_start3A_92 = tpu.memref_slice %arg7[%arg0, %mul3A_90, %dma_start3A_91] : memref<2x10240x128xf32, #tpu.memory_space<hbm>> -> memref<1x640x128xf32, #tpu.memory_space<hbm>>
      %dma_start3A_93 = tpu.memref_squeeze %dma_start3A_92 : memref<1x640x128xf32, #tpu.memory_space<hbm>> -> memref<640x128xf32, #tpu.memory_space<hbm>>
      %dma_start3A_94 = arith.constant 0 : i32
      %dma_start3A_95 = tpu.memref_slice %arg12[%mul3A_88, %dma_start3A_94] : memref<10240x128xf32, #tpu.memory_space<vmem_shared>> -> memref<640x128xf32, #tpu.memory_space<vmem_shared>>
      tpu.enqueue_dma source(%dma_start3A_95 : memref<640x128xf32, #tpu.memory_space<vmem_shared>>) target(%dma_start3A_93 : memref<640x128xf32, #tpu.memory_space<hbm>>) target_semaphore(%run_scoped3A : memref<!tpu.dma_semaphore, #tpu.memory_space<semaphore_mem>>)
      %dma_wait3A_96 = arith.constant 0 : i32
      %dma_wait3A_97 = tpu.memref_slice %arg7[%arg0, %mul3A_90, %dma_wait3A_96] : memref<2x10240x128xf32, #tpu.memory_space<hbm>> -> memref<1x640x128xf32, #tpu.memory_space<hbm>>
      %dma_wait3A_98 = tpu.memref_squeeze %dma_wait3A_97 : memref<1x640x128xf32, #tpu.memory_space<hbm>> -> memref<640x128xf32, #tpu.memory_space<hbm>>
      %dma_wait3A_99 = arith.constant 0 : i32
      %dma_wait3A_100 = tpu.memref_slice %arg12[%mul3A_88, %dma_wait3A_99] : memref<10240x128xf32, #tpu.memory_space<vmem_shared>> -> memref<640x128xf32, #tpu.memory_space<vmem_shared>>
      tpu.wait_dma2 semaphore(%run_scoped3A : memref<!tpu.dma_semaphore, #tpu.memory_space<semaphore_mem>>) src(%dma_wait3A_100 : memref<640x128xf32, #tpu.memory_space<vmem_shared>>) dst(%dma_wait3A_98 : memref<640x128xf32, #tpu.memory_space<hbm>>)
      tpu.yield
    }) : () -> ()
    return
  }
}

module attributes {stable_mosaic.version = 14 : i64} {
  func.func @_stage_in_body(%arg0: i32, %arg1: memref<1000x128xf32, #tpu.memory_space<vmem>>, %arg2: memref<128x128xf32, #tpu.memory_space<vmem>>, %arg3: memref<1x128xf32, #tpu.memory_space<vmem>>, %arg4: memref<1x1xf32, #tpu.memory_space<vmem>>, %arg5: memref<1000x128xf32, #tpu.memory_space<vmem>>, %arg6: memref<2x1000x128xf32, #tpu.memory_space<vmem>>) attributes {dimension_semantics = [#tpu.dimension_semantics<arbitrary>], iteration_bounds = array<i64: 10>, scalar_prefetch = 0 : i64, scratch_operands = 0 : i64, tpu.core_type = #tpu.core_type<tc>, window_params = [{transform_indices = @transform_0, window_bounds = array<i64: 1000, 128>}, {pipeline_mode = #tpu.pipeline_mode<synchronous>, transform_indices = @transform_1, window_bounds = array<i64: 128, 128>}, {pipeline_mode = #tpu.pipeline_mode<synchronous>, transform_indices = @transform_2, window_bounds = array<i64: 1, 128>}, {pipeline_mode = #tpu.pipeline_mode<synchronous>, transform_indices = @transform_3, window_bounds = array<i64: 1, 1>}, {transform_indices = @transform_4, window_bounds = array<i64: 1000, 128>}, {transform_indices = @transform_5, window_bounds = array<i64: 2, 1000, 128>}]} {
    %get3A = arith.constant 0 : index
    %get3A_0 = arith.constant 0 : index
    %get3A_1 = vector.load %arg1[%get3A, %get3A_0] : memref<1000x128xf32, #tpu.memory_space<vmem>>, vector<1000x128xf32>
    %get3A_2 = arith.constant 0 : index
    %get3A_3 = arith.constant 0 : index
    %get3A_4 = vector.load %arg2[%get3A_2, %get3A_3] : memref<128x128xf32, #tpu.memory_space<vmem>>, vector<128x128xf32>
    %dot_general3A = arith.constant dense<0.000000e+00> : vector<1000x128xf32>
    %dot_general3A_5 = tpu.matmul %get3A_1, %get3A_4, %dot_general3A {dimension_numbers = #tpu.dot_dimension_numbers<[1], [0], [0], [1], [0, 0, 1, 1], [], []>, transpose_lhs_hint = false} : vector<1000x128xf32>, vector<128x128xf32>, vector<1000x128xf32> -> vector<1000x128xf32>
    %get3A_6 = arith.constant 0 : index
    %get3A_7 = arith.constant 0 : index
    %get3A_8 = vector.load %arg3[%get3A_6, %get3A_7] : memref<1x128xf32, #tpu.memory_space<vmem>>, vector<1x128xf32>
    %add3A = vector.broadcast %get3A_8 : vector<1x128xf32> to vector<1000x128xf32>
    %add3A_9 = arith.addf %dot_general3A_5, %add3A : vector<1000x128xf32>
    %swap3A = arith.constant 0 : index
    %swap3A_10 = arith.constant 0 : index
    %swap3A_11 = vector.load %arg5[%swap3A, %swap3A_10] : memref<1000x128xf32, #tpu.memory_space<vmem>>, vector<1000x128xf32>
    tpu.vector_store %arg5[%swap3A, %swap3A_10], %add3A_9 {strides = array<i32>} : memref<1000x128xf32, #tpu.memory_space<vmem>>, vector<1000x128xf32>,
    %max3A = arith.constant 0.000000e+00 : f32
    %max3A_12 = vector.broadcast %max3A : f32 to vector<1000x128xf32>
    %max3A_13 = arith.maximumf %add3A_9, %max3A_12 : vector<1000x128xf32>
    %add3A_14 = arith.constant 1.000000e-07 : f32
    %add3A_15 = vector.broadcast %add3A_14 : f32 to vector<1000x128xf32>
    %add3A_16 = arith.addf %max3A_13, %add3A_15 : vector<1000x128xf32>
    %get3A_17 = arith.constant 0 : index
    %get3A_18 = arith.constant 0 : index
    %get3A_19 = vector.load %arg4[%get3A_17, %get3A_18] : memref<1x1xf32, #tpu.memory_space<vmem>>, vector<1x1xf32>
    %get3A_20 = vector.extract %get3A_19[0, 0] : f32 from vector<1x1xf32>
    %mul3A = vector.broadcast %get3A_20 : f32 to vector<1000x128xf32>
    %mul3A_21 = arith.mulf %mul3A, %add3A_16 : vector<1000x128xf32>
    %exp3A = math.exp %mul3A_21 : vector<1000x128xf32>
    %swap3A_22 = arith.constant 0 : index
    %swap3A_23 = arith.constant 0 : index
    %swap3A_24 = arith.constant 0 : index
    %swap3A_25 = vector.load %arg6[%swap3A_22, %swap3A_23, %swap3A_24] : memref<2x1000x128xf32, #tpu.memory_space<vmem>>, vector<1x1000x128xf32>
    %swap3A_26 = vector.shape_cast %swap3A_25 : vector<1x1000x128xf32> to vector<1000x128xf32>
    %swap3A_27 = vector.shape_cast %exp3A : vector<1000x128xf32> to vector<1x1000x128xf32>
    tpu.vector_store %arg6[%swap3A_22, %swap3A_23, %swap3A_24], %swap3A_27 {strides = array<i32>} : memref<2x1000x128xf32, #tpu.memory_space<vmem>>, vector<1x1000x128xf32>,
    %mul3A_28 = arith.mulf %add3A_16, %exp3A : vector<1000x128xf32>
    %swap3A_29 = arith.constant 1 : index
    %swap3A_30 = arith.constant 0 : index
    %swap3A_31 = arith.constant 0 : index
    %swap3A_32 = vector.load %arg6[%swap3A_29, %swap3A_30, %swap3A_31] : memref<2x1000x128xf32, #tpu.memory_space<vmem>>, vector<1x1000x128xf32>
    %swap3A_33 = vector.shape_cast %swap3A_32 : vector<1x1000x128xf32> to vector<1000x128xf32>
    %swap3A_34 = vector.shape_cast %mul3A_28 : vector<1000x128xf32> to vector<1x1000x128xf32>
    tpu.vector_store %arg6[%swap3A_29, %swap3A_30, %swap3A_31], %swap3A_34 {strides = array<i32>} : memref<2x1000x128xf32, #tpu.memory_space<vmem>>, vector<1x1000x128xf32>,
    return
  }
  func.func @transform_0(%arg0: i32) -> (i32, i32) {
    %c0_i32 = arith.constant 0 : i32
    %c0_i32_0 = arith.constant 0 : i32
    return %arg0, %c0_i32 : i32, i32
  }
  func.func @transform_1(%arg0: i32) -> (i32, i32) {
    %c0_i32 = arith.constant 0 : i32
    %c0_i32_0 = arith.constant 0 : i32
    %c0_i32_1 = arith.constant 0 : i32
    return %c0_i32, %c0_i32_0 : i32, i32
  }
  func.func @transform_2(%arg0: i32) -> (i32, i32) {
    %c0_i32 = arith.constant 0 : i32
    %c0_i32_0 = arith.constant 0 : i32
    %c0_i32_1 = arith.constant 0 : i32
    return %c0_i32, %c0_i32_0 : i32, i32
  }
  func.func @transform_3(%arg0: i32) -> (i32, i32) {
    %c0_i32 = arith.constant 0 : i32
    %c0_i32_0 = arith.constant 0 : i32
    %c0_i32_1 = arith.constant 0 : i32
    return %c0_i32, %c0_i32_0 : i32, i32
  }
  func.func @transform_4(%arg0: i32) -> (i32, i32) {
    %c0_i32 = arith.constant 0 : i32
    %c0_i32_0 = arith.constant 0 : i32
    return %arg0, %c0_i32 : i32, i32
  }
  func.func @transform_5(%arg0: i32) -> (i32, i32, i32) {
    %c0_i32 = arith.constant 0 : i32
    %c0_i32_0 = arith.constant 0 : i32
    %c0_i32_1 = arith.constant 0 : i32
    return %c0_i32, %arg0, %c0_i32_0 : i32, i32, i32
  }
}

module attributes {stable_mosaic.version = 14 : i64} {
  func.func @_mlp1_body(%arg0: i32, %arg1: memref<1000x128xf32, #tpu.memory_space<vmem>>, %arg2: memref<1000x128xf32, #tpu.memory_space<vmem>>, %arg3: memref<1000x128xf32, #tpu.memory_space<vmem>>, %arg4: memref<128x256xf32, #tpu.memory_space<vmem>>, %arg5: memref<1x256xf32, #tpu.memory_space<vmem>>, %arg6: memref<1000x256xf32, #tpu.memory_space<vmem>>, %arg7: memref<2x256xf32, #tpu.memory_space<vmem>>) attributes {dimension_semantics = [#tpu.dimension_semantics<arbitrary>], iteration_bounds = array<i64: 10>, scalar_prefetch = 0 : i64, scratch_operands = 0 : i64, tpu.core_type = #tpu.core_type<tc>, window_params = [{transform_indices = @transform_0, window_bounds = array<i64: 1000, 128>}, {transform_indices = @transform_1, window_bounds = array<i64: 1000, 128>}, {transform_indices = @transform_2, window_bounds = array<i64: 1000, 128>}, {pipeline_mode = #tpu.pipeline_mode<synchronous>, transform_indices = @transform_3, window_bounds = array<i64: 128, 256>}, {pipeline_mode = #tpu.pipeline_mode<synchronous>, transform_indices = @transform_4, window_bounds = array<i64: 1, 256>}, {transform_indices = @transform_5, window_bounds = array<i64: 1000, 256>}, {pipeline_mode = #tpu.pipeline_mode<synchronous>, transform_indices = @transform_6, window_bounds = array<i64: 2, 256>}]} {
    %get3A = arith.constant 0 : index
    %get3A_0 = arith.constant 0 : index
    %get3A_1 = vector.load %arg3[%get3A, %get3A_0] : memref<1000x128xf32, #tpu.memory_space<vmem>>, vector<1000x128xf32>
    %get3A_2 = arith.constant 0 : index
    %get3A_3 = arith.constant 0 : index
    %get3A_4 = vector.load %arg2[%get3A_2, %get3A_3] : memref<1000x128xf32, #tpu.memory_space<vmem>>, vector<1000x128xf32>
    %add3A = arith.constant 1.000000e-16 : f32
    %add3A_5 = vector.broadcast %add3A : f32 to vector<1000x128xf32>
    %add3A_6 = arith.addf %get3A_4, %add3A_5 : vector<1000x128xf32>
    %div3A = arith.divf %get3A_1, %add3A_6 : vector<1000x128xf32>
    %get3A_7 = arith.constant 0 : index
    %get3A_8 = arith.constant 0 : index
    %get3A_9 = vector.load %arg1[%get3A_7, %get3A_8] : memref<1000x128xf32, #tpu.memory_space<vmem>>, vector<1000x128xf32>
    %add3A_10 = arith.addf %div3A, %get3A_9 : vector<1000x128xf32>
    %get3A_11 = arith.constant 0 : index
    %get3A_12 = arith.constant 0 : index
    %get3A_13 = vector.load %arg4[%get3A_11, %get3A_12] : memref<128x256xf32, #tpu.memory_space<vmem>>, vector<128x256xf32>
    %dot_general3A = arith.constant dense<0.000000e+00> : vector<1000x256xf32>
    %dot_general3A_14 = tpu.matmul %add3A_10, %get3A_13, %dot_general3A {dimension_numbers = #tpu.dot_dimension_numbers<[1], [0], [0], [1], [0, 0, 1, 1], [], []>, transpose_lhs_hint = false} : vector<1000x128xf32>, vector<128x256xf32>, vector<1000x256xf32> -> vector<1000x256xf32>
    %get3A_15 = arith.constant 0 : index
    %get3A_16 = arith.constant 0 : index
    %get3A_17 = vector.load %arg5[%get3A_15, %get3A_16] : memref<1x256xf32, #tpu.memory_space<vmem>>, vector<1x256xf32>
    %add3A_18 = vector.broadcast %get3A_17 : vector<1x256xf32> to vector<1000x256xf32>
    %add3A_19 = arith.addf %dot_general3A_14, %add3A_18 : vector<1000x256xf32>
    %swap3A = arith.constant 0 : index
    %swap3A_20 = arith.constant 0 : index
    %swap3A_21 = vector.load %arg6[%swap3A, %swap3A_20] : memref<1000x256xf32, #tpu.memory_space<vmem>>, vector<1000x256xf32>
    tpu.vector_store %arg6[%swap3A, %swap3A_20], %add3A_19 {strides = array<i32>} : memref<1000x256xf32, #tpu.memory_space<vmem>>, vector<1000x256xf32>,
    %reduce_sum3A = arith.constant dense<0.000000e+00> : vector<256xf32>
    %reduce_sum3A_22 = vector.multi_reduction <add>, %add3A_19, %reduce_sum3A [0] : vector<1000x256xf32> to vector<256xf32>
    %mul3A = arith.mulf %add3A_19, %add3A_19 : vector<1000x256xf32>
    %reduce_sum3A_23 = arith.constant dense<0.000000e+00> : vector<256xf32>
    %reduce_sum3A_24 = vector.multi_reduction <add>, %mul3A, %reduce_sum3A_23 [0] : vector<1000x256xf32> to vector<256xf32>
    %stack3A = vector.shape_cast %reduce_sum3A_22 : vector<256xf32> to vector<1x256xf32>
    %stack3A_25 = vector.shape_cast %reduce_sum3A_24 : vector<256xf32> to vector<1x256xf32>
    %stack3A_26 = tpu.concatenate %stack3A, %stack3A_25 in 0 : vector<1x256xf32>, vector<1x256xf32> -> vector<2x256xf32>
    %eq3A = arith.constant 0 : i32
    %eq3A_27 = arith.cmpi eq, %arg0, %eq3A : i32
    %convert_element_type3A = arith.extui %eq3A_27 : i1 to i32
    %cond3A = arith.constant 0 : i32
    %cond3A_28 = arith.cmpi ne, %convert_element_type3A, %cond3A : i32
    scf.if %cond3A_28 {
      %swap3A_33 = arith.constant 0 : index
      %swap3A_34 = arith.constant 0 : index
      %swap3A_35 = vector.load %arg7[%swap3A_33, %swap3A_34] : memref<2x256xf32, #tpu.memory_space<vmem>>, vector<2x256xf32>
      tpu.vector_store %arg7[%swap3A_33, %swap3A_34], %stack3A_26 {strides = array<i32>} : memref<2x256xf32, #tpu.memory_space<vmem>>, vector<2x256xf32>,
    } else {
    }
    %gt3A = arith.constant 0 : i32
    %gt3A_29 = arith.cmpi sgt, %arg0, %gt3A : i32
    %convert_element_type3A_30 = arith.extui %gt3A_29 : i1 to i32
    %cond3A_31 = arith.constant 0 : i32
    %cond3A_32 = arith.cmpi ne, %convert_element_type3A_30, %cond3A_31 : i32
    scf.if %cond3A_32 {
      %get3A_33 = arith.constant 0 : index
      %get3A_34 = arith.constant 0 : index
      %get3A_35 = vector.load %arg7[%get3A_33, %get3A_34] : memref<2x256xf32, #tpu.memory_space<vmem>>, vector<2x256xf32>
      %add3A_36 = arith.addf %get3A_35, %stack3A_26 : vector<2x256xf32>
      %swap3A_37 = arith.constant 0 : index
      %swap3A_38 = arith.constant 0 : index
      %swap3A_39 = vector.load %arg7[%swap3A_37, %swap3A_38] : memref<2x256xf32, #tpu.memory_space<vmem>>, vector<2x256xf32>
      tpu.vector_store %arg7[%swap3A_37, %swap3A_38], %add3A_36 {strides = array<i32>} : memref<2x256xf32, #tpu.memory_space<vmem>>, vector<2x256xf32>,
    } else {
    }
    return
  }
  func.func @transform_0(%arg0: i32) -> (i32, i32) {
    %c0_i32 = arith.constant 0 : i32
    %c0_i32_0 = arith.constant 0 : i32
    return %arg0, %c0_i32 : i32, i32
  }
  func.func @transform_1(%arg0: i32) -> (i32, i32) {
    %c0_i32 = arith.constant 0 : i32
    %c0_i32_0 = arith.constant 0 : i32
    return %arg0, %c0_i32 : i32, i32
  }
  func.func @transform_2(%arg0: i32) -> (i32, i32) {
    %c0_i32 = arith.constant 0 : i32
    %c0_i32_0 = arith.constant 0 : i32
    return %arg0, %c0_i32 : i32, i32
  }
  func.func @transform_3(%arg0: i32) -> (i32, i32) {
    %c0_i32 = arith.constant 0 : i32
    %c0_i32_0 = arith.constant 0 : i32
    %c0_i32_1 = arith.constant 0 : i32
    return %c0_i32, %c0_i32_0 : i32, i32
  }
  func.func @transform_4(%arg0: i32) -> (i32, i32) {
    %c0_i32 = arith.constant 0 : i32
    %c0_i32_0 = arith.constant 0 : i32
    %c0_i32_1 = arith.constant 0 : i32
    return %c0_i32, %c0_i32_0 : i32, i32
  }
  func.func @transform_5(%arg0: i32) -> (i32, i32) {
    %c0_i32 = arith.constant 0 : i32
    %c0_i32_0 = arith.constant 0 : i32
    return %arg0, %c0_i32 : i32, i32
  }
  func.func @transform_6(%arg0: i32) -> (i32, i32) {
    %c0_i32 = arith.constant 0 : i32
    %c0_i32_0 = arith.constant 0 : i32
    %c0_i32_1 = arith.constant 0 : i32
    return %c0_i32, %c0_i32_0 : i32, i32
  }
}

module attributes {stable_mosaic.version = 14 : i64} {
  func.func @_mlp2_mid_body(%arg0: i32, %arg1: memref<1000x256xf32, #tpu.memory_space<vmem>>, %arg2: memref<2x256xf32, #tpu.memory_space<vmem>>, %arg3: memref<1x256xf32, #tpu.memory_space<vmem>>, %arg4: memref<1x256xf32, #tpu.memory_space<vmem>>, %arg5: memref<256x128xf32, #tpu.memory_space<vmem>>, %arg6: memref<1x128xf32, #tpu.memory_space<vmem>>, %arg7: memref<1x128xf32, #tpu.memory_space<vmem>>, %arg8: memref<1x128xf32, #tpu.memory_space<vmem>>, %arg9: memref<1000x128xf32, #tpu.memory_space<vmem>>, %arg10: memref<1x1xf32, #tpu.memory_space<vmem>>, %arg11: memref<1000x128xf32, #tpu.memory_space<vmem>>, %arg12: memref<2x1000x128xf32, #tpu.memory_space<vmem>>) attributes {dimension_semantics = [#tpu.dimension_semantics<arbitrary>], iteration_bounds = array<i64: 10>, scalar_prefetch = 0 : i64, scratch_operands = 0 : i64, tpu.core_type = #tpu.core_type<tc>, window_params = [{transform_indices = @transform_0, window_bounds = array<i64: 1000, 256>}, {pipeline_mode = #tpu.pipeline_mode<synchronous>, transform_indices = @transform_1, window_bounds = array<i64: 2, 256>}, {pipeline_mode = #tpu.pipeline_mode<synchronous>, transform_indices = @transform_2, window_bounds = array<i64: 1, 256>}, {pipeline_mode = #tpu.pipeline_mode<synchronous>, transform_indices = @transform_3, window_bounds = array<i64: 1, 256>}, {pipeline_mode = #tpu.pipeline_mode<synchronous>, transform_indices = @transform_4, window_bounds = array<i64: 256, 128>}, {pipeline_mode = #tpu.pipeline_mode<synchronous>, transform_indices = @transform_5, window_bounds = array<i64: 1, 128>}, {pipeline_mode = #tpu.pipeline_mode<synchronous>, transform_indices = @transform_6, window_bounds = array<i64: 1, 128>}, {pipeline_mode = #tpu.pipeline_mode<synchronous>, transform_indices = @transform_7, window_bounds = array<i64: 1, 128>}, {transform_indices = @transform_8, window_bounds = array<i64: 1000, 128>}, {pipeline_mode = #tpu.pipeline_mode<synchronous>, transform_indices = @transform_9, window_bounds = array<i64: 1, 1>}, {transform_indices = @transform_10, window_bounds = array<i64: 1000, 128>}, {transform_indices = @transform_11, window_bounds = array<i64: 2, 1000, 128>}]} {
    %get3A = arith.constant 0 : index
    %get3A_0 = arith.constant 0 : index
    %get3A_1 = vector.load %arg1[%get3A, %get3A_0] : memref<1000x256xf32, #tpu.memory_space<vmem>>, vector<1000x256xf32>
    %get3A_2 = arith.constant 0 : index
    %get3A_3 = arith.constant 0 : index
    %get3A_4 = vector.load %arg2[%get3A_2, %get3A_3] : memref<2x256xf32, #tpu.memory_space<vmem>>, vector<2x256xf32>
    %get3A_5 = arith.constant 0 : index
    %get3A_6 = arith.constant 0 : index
    %get3A_7 = vector.load %arg3[%get3A_5, %get3A_6] : memref<1x256xf32, #tpu.memory_space<vmem>>, vector<1x256xf32>
    %get3A_8 = arith.constant 0 : index
    %get3A_9 = arith.constant 0 : index
    %get3A_10 = vector.load %arg4[%get3A_8, %get3A_9] : memref<1x256xf32, #tpu.memory_space<vmem>>, vector<1x256xf32>
    %get3A_11 = arith.constant 0 : index
    %get3A_12 = arith.constant 0 : index
    %get3A_13 = vector.load %arg5[%get3A_11, %get3A_12] : memref<256x128xf32, #tpu.memory_space<vmem>>, vector<256x128xf32>
    %get3A_14 = arith.constant 0 : index
    %get3A_15 = arith.constant 0 : index
    %get3A_16 = vector.load %arg6[%get3A_14, %get3A_15] : memref<1x128xf32, #tpu.memory_space<vmem>>, vector<1x128xf32>
    %get3A_17 = arith.constant 0 : index
    %get3A_18 = arith.constant 0 : index
    %get3A_19 = vector.load %arg7[%get3A_17, %get3A_18] : memref<1x128xf32, #tpu.memory_space<vmem>>, vector<1x128xf32>
    %get3A_20 = arith.constant 0 : index
    %get3A_21 = arith.constant 0 : index
    %get3A_22 = vector.load %arg8[%get3A_20, %get3A_21] : memref<1x128xf32, #tpu.memory_space<vmem>>, vector<1x128xf32>
    %get3A_23 = arith.constant 0 : index
    %get3A_24 = arith.constant 0 : index
    %get3A_25 = vector.load %arg9[%get3A_23, %get3A_24] : memref<1000x128xf32, #tpu.memory_space<vmem>>, vector<1000x128xf32>
    %slice3A = vector.extract_strided_slice %get3A_4 {offsets = [0, 0], sizes = [1, 256], strides = [1, 1]} : vector<2x256xf32> to vector<1x256xf32>
    %squeeze3A = vector.shape_cast %slice3A : vector<1x256xf32> to vector<256xf32>
    %mul3A = arith.constant 9.99999974E-5 : f32
    %mul3A_26 = vector.broadcast %mul3A : f32 to vector<256xf32>
    %mul3A_27 = arith.mulf %squeeze3A, %mul3A_26 : vector<256xf32>
    %slice3A_28 = vector.extract_strided_slice %get3A_4 {offsets = [1, 0], sizes = [1, 256], strides = [1, 1]} : vector<2x256xf32> to vector<1x256xf32>
    %squeeze3A_29 = vector.shape_cast %slice3A_28 : vector<1x256xf32> to vector<256xf32>
    %mul3A_30 = arith.constant 9.99999974E-5 : f32
    %mul3A_31 = vector.broadcast %mul3A_30 : f32 to vector<256xf32>
    %mul3A_32 = arith.mulf %squeeze3A_29, %mul3A_31 : vector<256xf32>
    %mul3A_33 = arith.mulf %mul3A_27, %mul3A_27 : vector<256xf32>
    %sub3A = arith.subf %mul3A_32, %mul3A_33 : vector<256xf32>
    %broadcast_in_dim3A = vector.shape_cast %mul3A_27 : vector<256xf32> to vector<1x256xf32>
    %sub3A_34 = vector.broadcast %broadcast_in_dim3A : vector<1x256xf32> to vector<1000x256xf32>
    %sub3A_35 = arith.subf %get3A_1, %sub3A_34 : vector<1000x256xf32>
    %add3A = arith.constant 9.99999974E-6 : f32
    %add3A_36 = vector.broadcast %add3A : f32 to vector<256xf32>
    %add3A_37 = arith.addf %sub3A, %add3A_36 : vector<256xf32>
    %rsqrt3A = math.rsqrt %add3A_37 : vector<256xf32>
    %broadcast_in_dim3A_38 = vector.shape_cast %rsqrt3A : vector<256xf32> to vector<1x256xf32>
    %mul3A_39 = vector.broadcast %broadcast_in_dim3A_38 : vector<1x256xf32> to vector<1000x256xf32>
    %mul3A_40 = arith.mulf %sub3A_35, %mul3A_39 : vector<1000x256xf32>
    %mul3A_41 = vector.broadcast %get3A_7 : vector<1x256xf32> to vector<1000x256xf32>
    %mul3A_42 = arith.mulf %mul3A_40, %mul3A_41 : vector<1000x256xf32>
    %add3A_43 = vector.broadcast %get3A_10 : vector<1x256xf32> to vector<1000x256xf32>
    %add3A_44 = arith.addf %mul3A_42, %add3A_43 : vector<1000x256xf32>
    %max3A = arith.constant 0.000000e+00 : f32
    %max3A_45 = vector.broadcast %max3A : f32 to vector<1000x256xf32>
    %max3A_46 = arith.maximumf %add3A_44, %max3A_45 : vector<1000x256xf32>
    %dot_general3A = arith.constant dense<0.000000e+00> : vector<1000x128xf32>
    %dot_general3A_47 = tpu.matmul %max3A_46, %get3A_13, %dot_general3A {dimension_numbers = #tpu.dot_dimension_numbers<[1], [0], [0], [1], [0, 0, 1, 1], [], []>, transpose_lhs_hint = false} : vector<1000x256xf32>, vector<256x128xf32>, vector<1000x128xf32> -> vector<1000x128xf32>
    %add3A_48 = vector.broadcast %get3A_16 : vector<1x128xf32> to vector<1000x128xf32>
    %add3A_49 = arith.addf %dot_general3A_47, %add3A_48 : vector<1000x128xf32>
    %reduce_sum3A = arith.constant dense<0.000000e+00> : vector<1000xf32>
    %reduce_sum3A_50 = vector.multi_reduction <add>, %add3A_49, %reduce_sum3A [1] : vector<1000x128xf32> to vector<1000xf32>
    %broadcast_in_dim3A_51 = vector.shape_cast %reduce_sum3A_50 : vector<1000xf32> to vector<1000x1xf32>
    %div3A = arith.constant 1.280000e+02 : f32
    %div3A_52 = vector.broadcast %div3A : f32 to vector<1000x1xf32>
    %div3A_53 = arith.divf %broadcast_in_dim3A_51, %div3A_52 : vector<1000x1xf32>
    %mul3A_54 = arith.mulf %add3A_49, %add3A_49 : vector<1000x128xf32>
    %reduce_sum3A_55 = arith.constant dense<0.000000e+00> : vector<1000xf32>
    %reduce_sum3A_56 = vector.multi_reduction <add>, %mul3A_54, %reduce_sum3A_55 [1] : vector<1000x128xf32> to vector<1000xf32>
    %broadcast_in_dim3A_57 = vector.shape_cast %reduce_sum3A_56 : vector<1000xf32> to vector<1000x1xf32>
    %div3A_58 = arith.constant 1.280000e+02 : f32
    %div3A_59 = vector.broadcast %div3A_58 : f32 to vector<1000x1xf32>
    %div3A_60 = arith.divf %broadcast_in_dim3A_57, %div3A_59 : vector<1000x1xf32>
    %mul3A_61 = arith.mulf %div3A_53, %div3A_53 : vector<1000x1xf32>
    %sub3A_62 = arith.subf %div3A_60, %mul3A_61 : vector<1000x1xf32>
    %sub3A_63 = vector.broadcast %div3A_53 : vector<1000x1xf32> to vector<1000x128xf32>
    %sub3A_64 = arith.subf %add3A_49, %sub3A_63 : vector<1000x128xf32>
    %add3A_65 = arith.constant 9.99999974E-6 : f32
    %add3A_66 = vector.broadcast %add3A_65 : f32 to vector<1000x1xf32>
    %add3A_67 = arith.addf %sub3A_62, %add3A_66 : vector<1000x1xf32>
    %rsqrt3A_68 = math.rsqrt %add3A_67 : vector<1000x1xf32>
    %mul3A_69 = vector.broadcast %rsqrt3A_68 : vector<1000x1xf32> to vector<1000x128xf32>
    %mul3A_70 = arith.mulf %sub3A_64, %mul3A_69 : vector<1000x128xf32>
    %mul3A_71 = vector.broadcast %get3A_19 : vector<1x128xf32> to vector<1000x128xf32>
    %mul3A_72 = arith.mulf %mul3A_70, %mul3A_71 : vector<1000x128xf32>
    %add3A_73 = vector.broadcast %get3A_22 : vector<1x128xf32> to vector<1000x128xf32>
    %add3A_74 = arith.addf %mul3A_72, %add3A_73 : vector<1000x128xf32>
    %max3A_75 = arith.constant 0.000000e+00 : f32
    %max3A_76 = vector.broadcast %max3A_75 : f32 to vector<1000x128xf32>
    %max3A_77 = arith.maximumf %add3A_74, %max3A_76 : vector<1000x128xf32>
    %add3A_78 = arith.addf %get3A_25, %max3A_77 : vector<1000x128xf32>
    %swap3A = arith.constant 0 : index
    %swap3A_79 = arith.constant 0 : index
    %swap3A_80 = vector.load %arg11[%swap3A, %swap3A_79] : memref<1000x128xf32, #tpu.memory_space<vmem>>, vector<1000x128xf32>
    tpu.vector_store %arg11[%swap3A, %swap3A_79], %add3A_78 {strides = array<i32>} : memref<1000x128xf32, #tpu.memory_space<vmem>>, vector<1000x128xf32>,
    %max3A_81 = arith.constant 0.000000e+00 : f32
    %max3A_82 = vector.broadcast %max3A_81 : f32 to vector<1000x128xf32>
    %max3A_83 = arith.maximumf %add3A_78, %max3A_82 : vector<1000x128xf32>
    %add3A_84 = arith.constant 1.000000e-07 : f32
    %add3A_85 = vector.broadcast %add3A_84 : f32 to vector<1000x128xf32>
    %add3A_86 = arith.addf %max3A_83, %add3A_85 : vector<1000x128xf32>
    %get3A_87 = arith.constant 0 : index
    %get3A_88 = arith.constant 0 : index
    %get3A_89 = vector.load %arg10[%get3A_87, %get3A_88] : memref<1x1xf32, #tpu.memory_space<vmem>>, vector<1x1xf32>
    %get3A_90 = vector.extract %get3A_89[0, 0] : f32 from vector<1x1xf32>
    %mul3A_91 = vector.broadcast %get3A_90 : f32 to vector<1000x128xf32>
    %mul3A_92 = arith.mulf %mul3A_91, %add3A_86 : vector<1000x128xf32>
    %exp3A = math.exp %mul3A_92 : vector<1000x128xf32>
    %swap3A_93 = arith.constant 0 : index
    %swap3A_94 = arith.constant 0 : index
    %swap3A_95 = arith.constant 0 : index
    %swap3A_96 = vector.load %arg12[%swap3A_93, %swap3A_94, %swap3A_95] : memref<2x1000x128xf32, #tpu.memory_space<vmem>>, vector<1x1000x128xf32>
    %swap3A_97 = vector.shape_cast %swap3A_96 : vector<1x1000x128xf32> to vector<1000x128xf32>
    %swap3A_98 = vector.shape_cast %exp3A : vector<1000x128xf32> to vector<1x1000x128xf32>
    tpu.vector_store %arg12[%swap3A_93, %swap3A_94, %swap3A_95], %swap3A_98 {strides = array<i32>} : memref<2x1000x128xf32, #tpu.memory_space<vmem>>, vector<1x1000x128xf32>,
    %mul3A_99 = arith.mulf %add3A_86, %exp3A : vector<1000x128xf32>
    %swap3A_100 = arith.constant 1 : index
    %swap3A_101 = arith.constant 0 : index
    %swap3A_102 = arith.constant 0 : index
    %swap3A_103 = vector.load %arg12[%swap3A_100, %swap3A_101, %swap3A_102] : memref<2x1000x128xf32, #tpu.memory_space<vmem>>, vector<1x1000x128xf32>
    %swap3A_104 = vector.shape_cast %swap3A_103 : vector<1x1000x128xf32> to vector<1000x128xf32>
    %swap3A_105 = vector.shape_cast %mul3A_99 : vector<1000x128xf32> to vector<1x1000x128xf32>
    tpu.vector_store %arg12[%swap3A_100, %swap3A_101, %swap3A_102], %swap3A_105 {strides = array<i32>} : memref<2x1000x128xf32, #tpu.memory_space<vmem>>, vector<1x1000x128xf32>,
    return
  }
  func.func @transform_0(%arg0: i32) -> (i32, i32) {
    %c0_i32 = arith.constant 0 : i32
    %c0_i32_0 = arith.constant 0 : i32
    return %arg0, %c0_i32 : i32, i32
  }
  func.func @transform_1(%arg0: i32) -> (i32, i32) {
    %c0_i32 = arith.constant 0 : i32
    %c0_i32_0 = arith.constant 0 : i32
    %c0_i32_1 = arith.constant 0 : i32
    return %c0_i32, %c0_i32_0 : i32, i32
  }
  func.func @transform_2(%arg0: i32) -> (i32, i32) {
    %c0_i32 = arith.constant 0 : i32
    %c0_i32_0 = arith.constant 0 : i32
    %c0_i32_1 = arith.constant 0 : i32
    return %c0_i32, %c0_i32_0 : i32, i32
  }
  func.func @transform_3(%arg0: i32) -> (i32, i32) {
    %c0_i32 = arith.constant 0 : i32
    %c0_i32_0 = arith.constant 0 : i32
    %c0_i32_1 = arith.constant 0 : i32
    return %c0_i32, %c0_i32_0 : i32, i32
  }
  func.func @transform_4(%arg0: i32) -> (i32, i32) {
    %c0_i32 = arith.constant 0 : i32
    %c0_i32_0 = arith.constant 0 : i32
    %c0_i32_1 = arith.constant 0 : i32
    return %c0_i32, %c0_i32_0 : i32, i32
  }
  func.func @transform_5(%arg0: i32) -> (i32, i32) {
    %c0_i32 = arith.constant 0 : i32
    %c0_i32_0 = arith.constant 0 : i32
    %c0_i32_1 = arith.constant 0 : i32
    return %c0_i32, %c0_i32_0 : i32, i32
  }
  func.func @transform_6(%arg0: i32) -> (i32, i32) {
    %c0_i32 = arith.constant 0 : i32
    %c0_i32_0 = arith.constant 0 : i32
    %c0_i32_1 = arith.constant 0 : i32
    return %c0_i32, %c0_i32_0 : i32, i32
  }
  func.func @transform_7(%arg0: i32) -> (i32, i32) {
    %c0_i32 = arith.constant 0 : i32
    %c0_i32_0 = arith.constant 0 : i32
    %c0_i32_1 = arith.constant 0 : i32
    return %c0_i32, %c0_i32_0 : i32, i32
  }
  func.func @transform_8(%arg0: i32) -> (i32, i32) {
    %c0_i32 = arith.constant 0 : i32
    %c0_i32_0 = arith.constant 0 : i32
    return %arg0, %c0_i32 : i32, i32
  }
  func.func @transform_9(%arg0: i32) -> (i32, i32) {
    %c0_i32 = arith.constant 0 : i32
    %c0_i32_0 = arith.constant 0 : i32
    %c0_i32_1 = arith.constant 0 : i32
    return %c0_i32, %c0_i32_0 : i32, i32
  }
  func.func @transform_10(%arg0: i32) -> (i32, i32) {
    %c0_i32 = arith.constant 0 : i32
    %c0_i32_0 = arith.constant 0 : i32
    return %arg0, %c0_i32 : i32, i32
  }
  func.func @transform_11(%arg0: i32) -> (i32, i32, i32) {
    %c0_i32 = arith.constant 0 : i32
    %c0_i32_0 = arith.constant 0 : i32
    %c0_i32_1 = arith.constant 0 : i32
    return %c0_i32, %arg0, %c0_i32_0 : i32, i32, i32
  }
}

module attributes {stable_mosaic.version = 14 : i64} {
  func.func @_mlp2_fin_body(%arg0: i32, %arg1: memref<1000x256xf32, #tpu.memory_space<vmem>>, %arg2: memref<2x256xf32, #tpu.memory_space<vmem>>, %arg3: memref<1x256xf32, #tpu.memory_space<vmem>>, %arg4: memref<1x256xf32, #tpu.memory_space<vmem>>, %arg5: memref<256x128xf32, #tpu.memory_space<vmem>>, %arg6: memref<1x128xf32, #tpu.memory_space<vmem>>, %arg7: memref<1x128xf32, #tpu.memory_space<vmem>>, %arg8: memref<1x128xf32, #tpu.memory_space<vmem>>, %arg9: memref<1000x128xf32, #tpu.memory_space<vmem>>, %arg10: memref<128x128xf32, #tpu.memory_space<vmem>>, %arg11: memref<1x128xf32, #tpu.memory_space<vmem>>, %arg12: memref<1000x128xf32, #tpu.memory_space<vmem>>) attributes {dimension_semantics = [#tpu.dimension_semantics<arbitrary>], iteration_bounds = array<i64: 10>, scalar_prefetch = 0 : i64, scratch_operands = 0 : i64, tpu.core_type = #tpu.core_type<tc>, window_params = [{transform_indices = @transform_0, window_bounds = array<i64: 1000, 256>}, {pipeline_mode = #tpu.pipeline_mode<synchronous>, transform_indices = @transform_1, window_bounds = array<i64: 2, 256>}, {pipeline_mode = #tpu.pipeline_mode<synchronous>, transform_indices = @transform_2, window_bounds = array<i64: 1, 256>}, {pipeline_mode = #tpu.pipeline_mode<synchronous>, transform_indices = @transform_3, window_bounds = array<i64: 1, 256>}, {pipeline_mode = #tpu.pipeline_mode<synchronous>, transform_indices = @transform_4, window_bounds = array<i64: 256, 128>}, {pipeline_mode = #tpu.pipeline_mode<synchronous>, transform_indices = @transform_5, window_bounds = array<i64: 1, 128>}, {pipeline_mode = #tpu.pipeline_mode<synchronous>, transform_indices = @transform_6, window_bounds = array<i64: 1, 128>}, {pipeline_mode = #tpu.pipeline_mode<synchronous>, transform_indices = @transform_7, window_bounds = array<i64: 1, 128>}, {transform_indices = @transform_8, window_bounds = array<i64: 1000, 128>}, {pipeline_mode = #tpu.pipeline_mode<synchronous>, transform_indices = @transform_9, window_bounds = array<i64: 128, 128>}, {pipeline_mode = #tpu.pipeline_mode<synchronous>, transform_indices = @transform_10, window_bounds = array<i64: 1, 128>}, {transform_indices = @transform_11, window_bounds = array<i64: 1000, 128>}]} {
    %get3A = arith.constant 0 : index
    %get3A_0 = arith.constant 0 : index
    %get3A_1 = vector.load %arg1[%get3A, %get3A_0] : memref<1000x256xf32, #tpu.memory_space<vmem>>, vector<1000x256xf32>
    %get3A_2 = arith.constant 0 : index
    %get3A_3 = arith.constant 0 : index
    %get3A_4 = vector.load %arg2[%get3A_2, %get3A_3] : memref<2x256xf32, #tpu.memory_space<vmem>>, vector<2x256xf32>
    %get3A_5 = arith.constant 0 : index
    %get3A_6 = arith.constant 0 : index
    %get3A_7 = vector.load %arg3[%get3A_5, %get3A_6] : memref<1x256xf32, #tpu.memory_space<vmem>>, vector<1x256xf32>
    %get3A_8 = arith.constant 0 : index
    %get3A_9 = arith.constant 0 : index
    %get3A_10 = vector.load %arg4[%get3A_8, %get3A_9] : memref<1x256xf32, #tpu.memory_space<vmem>>, vector<1x256xf32>
    %get3A_11 = arith.constant 0 : index
    %get3A_12 = arith.constant 0 : index
    %get3A_13 = vector.load %arg5[%get3A_11, %get3A_12] : memref<256x128xf32, #tpu.memory_space<vmem>>, vector<256x128xf32>
    %get3A_14 = arith.constant 0 : index
    %get3A_15 = arith.constant 0 : index
    %get3A_16 = vector.load %arg6[%get3A_14, %get3A_15] : memref<1x128xf32, #tpu.memory_space<vmem>>, vector<1x128xf32>
    %get3A_17 = arith.constant 0 : index
    %get3A_18 = arith.constant 0 : index
    %get3A_19 = vector.load %arg7[%get3A_17, %get3A_18] : memref<1x128xf32, #tpu.memory_space<vmem>>, vector<1x128xf32>
    %get3A_20 = arith.constant 0 : index
    %get3A_21 = arith.constant 0 : index
    %get3A_22 = vector.load %arg8[%get3A_20, %get3A_21] : memref<1x128xf32, #tpu.memory_space<vmem>>, vector<1x128xf32>
    %get3A_23 = arith.constant 0 : index
    %get3A_24 = arith.constant 0 : index
    %get3A_25 = vector.load %arg9[%get3A_23, %get3A_24] : memref<1000x128xf32, #tpu.memory_space<vmem>>, vector<1000x128xf32>
    %slice3A = vector.extract_strided_slice %get3A_4 {offsets = [0, 0], sizes = [1, 256], strides = [1, 1]} : vector<2x256xf32> to vector<1x256xf32>
    %squeeze3A = vector.shape_cast %slice3A : vector<1x256xf32> to vector<256xf32>
    %mul3A = arith.constant 9.99999974E-5 : f32
    %mul3A_26 = vector.broadcast %mul3A : f32 to vector<256xf32>
    %mul3A_27 = arith.mulf %squeeze3A, %mul3A_26 : vector<256xf32>
    %slice3A_28 = vector.extract_strided_slice %get3A_4 {offsets = [1, 0], sizes = [1, 256], strides = [1, 1]} : vector<2x256xf32> to vector<1x256xf32>
    %squeeze3A_29 = vector.shape_cast %slice3A_28 : vector<1x256xf32> to vector<256xf32>
    %mul3A_30 = arith.constant 9.99999974E-5 : f32
    %mul3A_31 = vector.broadcast %mul3A_30 : f32 to vector<256xf32>
    %mul3A_32 = arith.mulf %squeeze3A_29, %mul3A_31 : vector<256xf32>
    %mul3A_33 = arith.mulf %mul3A_27, %mul3A_27 : vector<256xf32>
    %sub3A = arith.subf %mul3A_32, %mul3A_33 : vector<256xf32>
    %broadcast_in_dim3A = vector.shape_cast %mul3A_27 : vector<256xf32> to vector<1x256xf32>
    %sub3A_34 = vector.broadcast %broadcast_in_dim3A : vector<1x256xf32> to vector<1000x256xf32>
    %sub3A_35 = arith.subf %get3A_1, %sub3A_34 : vector<1000x256xf32>
    %add3A = arith.constant 9.99999974E-6 : f32
    %add3A_36 = vector.broadcast %add3A : f32 to vector<256xf32>
    %add3A_37 = arith.addf %sub3A, %add3A_36 : vector<256xf32>
    %rsqrt3A = math.rsqrt %add3A_37 : vector<256xf32>
    %broadcast_in_dim3A_38 = vector.shape_cast %rsqrt3A : vector<256xf32> to vector<1x256xf32>
    %mul3A_39 = vector.broadcast %broadcast_in_dim3A_38 : vector<1x256xf32> to vector<1000x256xf32>
    %mul3A_40 = arith.mulf %sub3A_35, %mul3A_39 : vector<1000x256xf32>
    %mul3A_41 = vector.broadcast %get3A_7 : vector<1x256xf32> to vector<1000x256xf32>
    %mul3A_42 = arith.mulf %mul3A_40, %mul3A_41 : vector<1000x256xf32>
    %add3A_43 = vector.broadcast %get3A_10 : vector<1x256xf32> to vector<1000x256xf32>
    %add3A_44 = arith.addf %mul3A_42, %add3A_43 : vector<1000x256xf32>
    %max3A = arith.constant 0.000000e+00 : f32
    %max3A_45 = vector.broadcast %max3A : f32 to vector<1000x256xf32>
    %max3A_46 = arith.maximumf %add3A_44, %max3A_45 : vector<1000x256xf32>
    %dot_general3A = arith.constant dense<0.000000e+00> : vector<1000x128xf32>
    %dot_general3A_47 = tpu.matmul %max3A_46, %get3A_13, %dot_general3A {dimension_numbers = #tpu.dot_dimension_numbers<[1], [0], [0], [1], [0, 0, 1, 1], [], []>, transpose_lhs_hint = false} : vector<1000x256xf32>, vector<256x128xf32>, vector<1000x128xf32> -> vector<1000x128xf32>
    %add3A_48 = vector.broadcast %get3A_16 : vector<1x128xf32> to vector<1000x128xf32>
    %add3A_49 = arith.addf %dot_general3A_47, %add3A_48 : vector<1000x128xf32>
    %reduce_sum3A = arith.constant dense<0.000000e+00> : vector<1000xf32>
    %reduce_sum3A_50 = vector.multi_reduction <add>, %add3A_49, %reduce_sum3A [1] : vector<1000x128xf32> to vector<1000xf32>
    %broadcast_in_dim3A_51 = vector.shape_cast %reduce_sum3A_50 : vector<1000xf32> to vector<1000x1xf32>
    %div3A = arith.constant 1.280000e+02 : f32
    %div3A_52 = vector.broadcast %div3A : f32 to vector<1000x1xf32>
    %div3A_53 = arith.divf %broadcast_in_dim3A_51, %div3A_52 : vector<1000x1xf32>
    %mul3A_54 = arith.mulf %add3A_49, %add3A_49 : vector<1000x128xf32>
    %reduce_sum3A_55 = arith.constant dense<0.000000e+00> : vector<1000xf32>
    %reduce_sum3A_56 = vector.multi_reduction <add>, %mul3A_54, %reduce_sum3A_55 [1] : vector<1000x128xf32> to vector<1000xf32>
    %broadcast_in_dim3A_57 = vector.shape_cast %reduce_sum3A_56 : vector<1000xf32> to vector<1000x1xf32>
    %div3A_58 = arith.constant 1.280000e+02 : f32
    %div3A_59 = vector.broadcast %div3A_58 : f32 to vector<1000x1xf32>
    %div3A_60 = arith.divf %broadcast_in_dim3A_57, %div3A_59 : vector<1000x1xf32>
    %mul3A_61 = arith.mulf %div3A_53, %div3A_53 : vector<1000x1xf32>
    %sub3A_62 = arith.subf %div3A_60, %mul3A_61 : vector<1000x1xf32>
    %sub3A_63 = vector.broadcast %div3A_53 : vector<1000x1xf32> to vector<1000x128xf32>
    %sub3A_64 = arith.subf %add3A_49, %sub3A_63 : vector<1000x128xf32>
    %add3A_65 = arith.constant 9.99999974E-6 : f32
    %add3A_66 = vector.broadcast %add3A_65 : f32 to vector<1000x1xf32>
    %add3A_67 = arith.addf %sub3A_62, %add3A_66 : vector<1000x1xf32>
    %rsqrt3A_68 = math.rsqrt %add3A_67 : vector<1000x1xf32>
    %mul3A_69 = vector.broadcast %rsqrt3A_68 : vector<1000x1xf32> to vector<1000x128xf32>
    %mul3A_70 = arith.mulf %sub3A_64, %mul3A_69 : vector<1000x128xf32>
    %mul3A_71 = vector.broadcast %get3A_19 : vector<1x128xf32> to vector<1000x128xf32>
    %mul3A_72 = arith.mulf %mul3A_70, %mul3A_71 : vector<1000x128xf32>
    %add3A_73 = vector.broadcast %get3A_22 : vector<1x128xf32> to vector<1000x128xf32>
    %add3A_74 = arith.addf %mul3A_72, %add3A_73 : vector<1000x128xf32>
    %max3A_75 = arith.constant 0.000000e+00 : f32
    %max3A_76 = vector.broadcast %max3A_75 : f32 to vector<1000x128xf32>
    %max3A_77 = arith.maximumf %add3A_74, %max3A_76 : vector<1000x128xf32>
    %add3A_78 = arith.addf %get3A_25, %max3A_77 : vector<1000x128xf32>
    %get3A_79 = arith.constant 0 : index
    %get3A_80 = arith.constant 0 : index
    %get3A_81 = vector.load %arg10[%get3A_79, %get3A_80] : memref<128x128xf32, #tpu.memory_space<vmem>>, vector<128x128xf32>
    %dot_general3A_82 = arith.constant dense<0.000000e+00> : vector<1000x128xf32>
    %dot_general3A_83 = tpu.matmul %add3A_78, %get3A_81, %dot_general3A_82 {dimension_numbers = #tpu.dot_dimension_numbers<[1], [0], [0], [1], [0, 0, 1, 1], [], []>, transpose_lhs_hint = false} : vector<1000x128xf32>, vector<128x128xf32>, vector<1000x128xf32> -> vector<1000x128xf32>
    %get3A_84 = arith.constant 0 : index
    %get3A_85 = arith.constant 0 : index
    %get3A_86 = vector.load %arg11[%get3A_84, %get3A_85] : memref<1x128xf32, #tpu.memory_space<vmem>>, vector<1x128xf32>
    %add3A_87 = vector.broadcast %get3A_86 : vector<1x128xf32> to vector<1000x128xf32>
    %add3A_88 = arith.addf %dot_general3A_83, %add3A_87 : vector<1000x128xf32>
    %swap3A = arith.constant 0 : index
    %swap3A_89 = arith.constant 0 : index
    %swap3A_90 = vector.load %arg12[%swap3A, %swap3A_89] : memref<1000x128xf32, #tpu.memory_space<vmem>>, vector<1000x128xf32>
    tpu.vector_store %arg12[%swap3A, %swap3A_89], %add3A_88 {strides = array<i32>} : memref<1000x128xf32, #tpu.memory_space<vmem>>, vector<1000x128xf32>,
    return
  }
  func.func @transform_0(%arg0: i32) -> (i32, i32) {
    %c0_i32 = arith.constant 0 : i32
    %c0_i32_0 = arith.constant 0 : i32
    return %arg0, %c0_i32 : i32, i32
  }
  func.func @transform_1(%arg0: i32) -> (i32, i32) {
    %c0_i32 = arith.constant 0 : i32
    %c0_i32_0 = arith.constant 0 : i32
    %c0_i32_1 = arith.constant 0 : i32
    return %c0_i32, %c0_i32_0 : i32, i32
  }
  func.func @transform_2(%arg0: i32) -> (i32, i32) {
    %c0_i32 = arith.constant 0 : i32
    %c0_i32_0 = arith.constant 0 : i32
    %c0_i32_1 = arith.constant 0 : i32
    return %c0_i32, %c0_i32_0 : i32, i32
  }
  func.func @transform_3(%arg0: i32) -> (i32, i32) {
    %c0_i32 = arith.constant 0 : i32
    %c0_i32_0 = arith.constant 0 : i32
    %c0_i32_1 = arith.constant 0 : i32
    return %c0_i32, %c0_i32_0 : i32, i32
  }
  func.func @transform_4(%arg0: i32) -> (i32, i32) {
    %c0_i32 = arith.constant 0 : i32
    %c0_i32_0 = arith.constant 0 : i32
    %c0_i32_1 = arith.constant 0 : i32
    return %c0_i32, %c0_i32_0 : i32, i32
  }
  func.func @transform_5(%arg0: i32) -> (i32, i32) {
    %c0_i32 = arith.constant 0 : i32
    %c0_i32_0 = arith.constant 0 : i32
    %c0_i32_1 = arith.constant 0 : i32
    return %c0_i32, %c0_i32_0 : i32, i32
  }
  func.func @transform_6(%arg0: i32) -> (i32, i32) {
    %c0_i32 = arith.constant 0 : i32
    %c0_i32_0 = arith.constant 0 : i32
    %c0_i32_1 = arith.constant 0 : i32
    return %c0_i32, %c0_i32_0 : i32, i32
  }
  func.func @transform_7(%arg0: i32) -> (i32, i32) {
    %c0_i32 = arith.constant 0 : i32
    %c0_i32_0 = arith.constant 0 : i32
    %c0_i32_1 = arith.constant 0 : i32
    return %c0_i32, %c0_i32_0 : i32, i32
  }
  func.func @transform_8(%arg0: i32) -> (i32, i32) {
    %c0_i32 = arith.constant 0 : i32
    %c0_i32_0 = arith.constant 0 : i32
    return %arg0, %c0_i32 : i32, i32
  }
  func.func @transform_9(%arg0: i32) -> (i32, i32) {
    %c0_i32 = arith.constant 0 : i32
    %c0_i32_0 = arith.constant 0 : i32
    %c0_i32_1 = arith.constant 0 : i32
    return %c0_i32, %c0_i32_0 : i32, i32
  }
  func.func @transform_10(%arg0: i32) -> (i32, i32) {
    %c0_i32 = arith.constant 0 : i32
    %c0_i32_0 = arith.constant 0 : i32
    %c0_i32_1 = arith.constant 0 : i32
    return %c0_i32, %c0_i32_0 : i32, i32
  }
  func.func @transform_11(%arg0: i32) -> (i32, i32) {
    %c0_i32 = arith.constant 0 : i32
    %c0_i32_0 = arith.constant 0 : i32
    return %arg0, %c0_i32 : i32, i32
  }
}

</mosaic_0001>

<sc_bundles>
// kernel: kernel.12.cloned.1.call-start
scs
__scs_entry_jumppad:
0x0: {  	(pc) =	sbr.rel $0x88, $3  }
0x1: {  	(tag) =	ssettag $0x0;
	lr =	simm.s32 $0x1  }
0x2: {  	[smem:$0x3F89] =	sst lr;
	_ =	strace $0xD0000000  }
0x3: {  	_ = 	snop  }
0x4: {  	_ = 	snop  }
0x5: {  	_ = 	snop  }
0x6: {  	_ = 	snop  }
0x7: {  	_ = 	snop  }
__scs_overlays_trampoline_lowered:
0x8: {  	[smem:$0x3F98] =	sst s0  }
0x9: {  	[smem:$0x3F99] =	sst s1  }
0xa: {  	[smem:$0x3F9A] =	sst s2  }
0xb: {  	[smem:$0x3F9B] =	sst s3  }
0xc: {  	[smem:$0x3F9C] =	sst s4  }
0xd: {  	[smem:$0x3F9D] =	sst s5  }
0xe: {  	[smem:$0x3F9E] =	sst s6  }
0xf: {  	[smem:$0x3F9F] =	sst s7  }
0x10: {  	[smem:$0x3FA0] =	sst s8  }
0x11: {  	[smem:$0x3FA1] =	sst s9;
	s0 =	simm.s32 @!p0 $0x0  }
0x12: {  	s1 =	sld [smem:$0x3F87];
	s0 =	simm.s32 @p0 $0x1  }
0x13: {  	[smem:$0x3FA2] =	sst s0;
	s0 =	simm.s32 @!p1 $0x0  }
0x14: {  	s2 =	sld [smem:$0x3F86];
	s0 =	simm.s32 @p1 $0x1  }
0x15: {  	[smem:$0x3FA3] =	sst s0;
	s0 =	simm.s32 @!p2 $0x0  }
0x16: {  	s3 =	sld [smem:$0x3FDB];
	s0 =	simm.s32 @p2 $0x1  }
0x17: {  	s4 =	simm.s32 $0x1BF5;
	[smem:$0x3FA5] =	sst s0  }
0x18: {  	s0 =	sld [smem:$0x3F88];
	_ =	swait.ge [sflag:s4], $0x0  }
0x19: {  	s7 =	sld [smem:$0x3F89]  }
0x1a: {  	s8 =	sadd.s32 $0xFFFFE003, lr  }
0x1b: {  	s9 =	sadd.s32 $0xFFFFFEF7, lr;
	s5 =	simm.s32 $0xFFFFFFFF;
	p2 =	slt.u32 s8, $0xFFFFF086  }
0x1c: {  	p1 =	slt.u32 s9, $0xF7A;
	s5 =	simm.s32 @!p2 $0x0  }
0x1d: {  	s5 =	simm.s32 @p1 $0x1;
	p0 =	seq.s32 s7, s2  }
0x1e: {  	s7 =	smul.u32 @!p0 $0xF7A, s2;
	p2 =	seq.s32 @!p0 s5, $0x0  }
0x1f: {  	s9 =	smul.u32 $0xF7A, s1;
	s8 =	simm.s32 @!p0 $0x1BF5;
	p2 =	por !p2, p0  }
0x20: {  	[sflag:s8] =	ssyncset.s32 @!p0 $0xFFFFF086;
	s6 =	sadd.s32 @!p0 s3, s7;
	s7 =	simm.s32 @!p0 $0x108  }
0x21: {  	s3 =	sadd.s32 s3, s9;
	s6 =	sadd.s32 @!p0 $0x88, s6;
	s7 =	simm.s32 @p2 $0x1082  }
0x22: {  	[simem:s7], [sflag:s8] =	dma.local @!p0 [hbm:s6], $0xF7A  }
0x23: {  	s9 =	sor.u32 $0xD0000000, s2;
	s6 =	simm.s32 $0x108;
	_ =	swait.ge @!p0 [sflag:s8], $0x0  }
0x24: {  	s3 =	sadd.s32 $0x88, s3;
	s6 =	simm.s32 @!p1 $0x1082;
	[sflag:s4] =	ssyncset.s32 $0xFFFFF086  }
0x25: {  	[simem:s6], [sflag:s4] =	dma.local [hbm:s3], $0xF7A  }
0x26: {  	[smem:$0x3F89] =	sst s1;
	(tag) =	ssettag s2;
	_ =	strace s9  }
0x27: {  	s1 =	sld [smem:$0x3F99]  }
0x28: {  	s2 =	sld [smem:$0x3F9A]  }
0x29: {  	s4 =	sld [smem:$0x3F9C]  }
0x2a: {  	p0 =	seq.s32 s5, $0x0;
	s5 =	sld [smem:$0x3F9D]  }
0x2b: {  	s6 =	sld [smem:$0x3F9E]  }
0x2c: {  	s7 =	sld [smem:$0x3F9F]  }
0x2d: {  	s3 =	simm.s32 $0x108;
	s8 =	sld [smem:$0x3FA0]  }
0x2e: {  	s3 =	simm.s32 @!p0 $0x1082;
	s9 =	sld [smem:$0x3FA1]  }
0x2f: {  	lr =	sadd.s32 s0, s3;
	s0 =	sld [smem:$0x3F98]  }
0x30: {  	s3 =	sld [smem:$0x3F9B]  }
0x31: {  	[smem:$0x3FA4] =	sst s10  }
0x32: {  	s10 =	sld [smem:$0x3FA2];
	_ =	sdelay $0x3  }
0x33: {  	p0 =	seq.s32 s10, $0x1;
	s10 =	sld [smem:$0x3FA4];
	_ =	sdelay $0x3  }
0x34: {  	[smem:$0x3FA4] =	sst s10  }
0x35: {  	s10 =	sld [smem:$0x3FA3];
	_ =	sdelay $0x3  }
0x36: {  	p1 =	seq.s32 s10, $0x1;
	s10 =	sld [smem:$0x3FA4];
	_ =	sdelay $0x3  }
0x37: {  	[smem:$0x3FA4] =	sst s10  }
0x38: {  	s10 =	sld [smem:$0x3FA5]  }
0x39: {  	_ = 	snop;
	(pc) =	sbr.ind lr, $3  }
0x3a: {  	_ = 	snop  }
0x3b: {  	_ = 	snop  }
0x3c: {  	p2 =	seq.s32 s10, $0x1;
	s10 =	sld [smem:$0x3FA4]  }
0x3d: {  	_ =	shalt  }
0x3e: {  	_ =	shalt  }
0x3f: {  	_ =	shalt  }
0x40: {  	_ =	shalt  }
0x41: {  	_ =	shalt  }
0x42: {  	_ =	shalt  }
0x43: {  	_ =	shalt  }
0x44: {  	_ =	shalt  }
0x45: {  	_ =	shalt  }
0x46: {  	_ =	shalt  }
0x47: {  	_ =	shalt  }
0x48: {  	_ =	shalt  }
0x49: {  	_ =	shalt  }
0x4a: {  	_ =	shalt  }
0x4b: {  	_ =	shalt  }
0x4c: {  	_ =	shalt  }
0x4d: {  	_ =	shalt  }
0x4e: {  	_ =	shalt  }
0x4f: {  	_ =	shalt  }
0x50: {  	_ =	shalt  }
0x51: {  	_ =	shalt  }
0x52: {  	_ =	shalt  }
0x53: {  	_ =	shalt  }
0x54: {  	_ =	shalt  }
0x55: {  	_ =	shalt  }
0x56: {  	_ =	shalt  }
0x57: {  	_ =	shalt  }
0x58: {  	_ =	shalt  }
0x59: {  	_ =	shalt  }
0x5a: {  	_ =	shalt  }
0x5b: {  	_ =	shalt  }
0x5c: {  	_ =	shalt  }
0x5d: {  	_ =	shalt  }
0x5e: {  	_ =	shalt  }
0x5f: {  	_ =	shalt  }
0x60: {  	_ =	shalt  }
0x61: {  	_ =	shalt  }
0x62: {  	_ =	shalt  }
0x63: {  	_ =	shalt  }
0x64: {  	_ =	shalt  }
0x65: {  	_ =	shalt  }
0x66: {  	_ =	shalt  }
0x67: {  	_ =	shalt  }
0x68: {  	_ =	shalt  }
0x69: {  	_ =	shalt  }
0x6a: {  	_ =	shalt  }
0x6b: {  	_ =	shalt  }
0x6c: {  	_ =	shalt  }
0x6d: {  	_ =	shalt  }
0x6e: {  	_ =	shalt  }
0x6f: {  	_ =	shalt  }
0x70: {  	_ =	shalt  }
0x71: {  	_ =	shalt  }
0x72: {  	_ =	shalt  }
0x73: {  	_ =	shalt  }
0x74: {  	_ =	shalt  }
0x75: {  	_ =	shalt  }
0x76: {  	_ =	shalt  }
0x77: {  	_ =	shalt  }
0x78: {  	_ =	shalt  }
0x79: {  	_ =	shalt  }
0x7a: {  	_ =	shalt  }
0x7b: {  	_ =	shalt  }
0x7c: {  	_ =	shalt  }
0x7d: {  	_ =	shalt  }
0x7e: {  	_ =	shalt  }
0x7f: {  	_ =	shalt  }
0x80: {  	_ =	shalt  }
0x81: {  	_ =	shalt  }
0x82: {  	_ =	shalt  }
0x83: {  	_ =	shalt  }
0x84: {  	_ =	shalt  }
0x85: {  	_ =	shalt  }
0x86: {  	_ =	shalt  }
0x87: {  	_ =	shalt  }
.Lfunc_end0:
.L_simem_size_0:
called_computation.1_lowered:
.L_overlay_start_0:
0x88: {  	s2 =	sld [smem:$0x3FD9]  }
0x89: {  	s3 =	sld [smem:$0x3FFE];
	_ =	sdelay $0x1  }
0x8a: {  	s1 =	srdreg.scid  }
0x8b: {  	s0 =	sand.u32 $0x1, s1  }
0x8c: {  	s17 =	sshll.u32 s0, $0xA;
	s2 =	sadd.s32 s3, s2  }
0x8d: {  	s2 =	sadd.s32 s2, s17  }
0x8e: {  	[smem:$0x3FB0] =	sst s2  }
0x8f: {  	_ = 	snop  }
0x90: {  	s2 =	sld [smem:$0x3FD0];
	(tm) =	ssettm $0x1  }
0x91: {  	s18 =	sld [smem:$0x3FFB];
	_ =	sdelay $0x3  }
0x92: {  	_ =	strace s18  }
0x93: {  	s3 =	sld [smem:$0x3FFC];
	_ =	sdelay $0x3  }
0x94: {  	_ =	strace s3  }
0x95: {  	s3 =	sld [smem:$0x3FFD];
	_ =	sdelay $0x3  }
0x96: {  	_ =	strace s3  }
0x97: {  	_ =	strace $0x8FFFFFFF  }
0x98: {  	s19 =	sld [smem:$0x3FDB];
	_ =	sdelay $0x1  }
0x99: {  	s4 =	simm.s32 $_scs_section_size  }
0x9a: {  	s5 =	simm.s32 $_size__tile_overlayer_lowered;
	s6 =	simm.s32 $_tile_overlayer_lowered  }
0x9b: {  	s22 =	simm.s32 $0x1BFF;
	s21 =	sshll.u32 s6, $0x1;
	s3 =	sadd.s32 s4, s19  }
0x9c: {  	s7 =	simm.s32 $0x0;
	s20 =	sshll.u32 s5, $0x1;
	s5 =	sadd.s32 s21, s3  }
0x9d: {  	[timem:s7], [sflag:s22] =	dma.local [hbm:s5], s20  }
0x9e: {  	_ =	swait.ge [sflag:s22], s20  }
0x9f: {  	s4 =	ssub.s32 $0x0, s20;
	[sflag:s22] =	ssyncset.done $0x0  }
0xa0: {  	[sflag:s22] =	ssyncadd.s32 s4;
	_ =	sdelay $0x1  }
0xa1: {  	s23 =	simm.s32 $0x1B8B  }
0xa2: {  	_ =	swait.ge [sflag:s23], $0x1  }
0xa3: {  	[sflag:s23] =	ssyncset.done $0x0  }
0xa4: {  	s25 =	simm.s32 $0x1B8E;
	s24 =	sld [smem:$0x3FFE];
	[sflag:s23] =	ssyncadd.s32 $0xFFFFFFFF  }
0xa5: {  	s26 =	simm.s32 $execute0_lowered;
	[smem:$0x3FD2] =	sst s25  }
0xa6: {  	s5 =	sshll.u32 s26, $0x1;
	_ =	strace $0x80000049;
	[dreg:$0x1] =	wrdreg $0xFFFFFFFF  }
0xa7: {  	s28 =	simm.s32 $_size_execute0_lowered;
	s3 =	sadd.s32 s3, s5;
	[dreg:$0x0] =	wrdreg $0x0  }
0xa8: {  	s5 =	sshll.u32 s28, $0x1;
	[dreg:$0x2] =	wrdreg s3  }
0xa9: {  	[dreg:$0x3] =	wrdreg s5  }
0xaa: {  	[dreg:$0x4] =	wrdreg $0xC0  }
0xab: {  	_ =	task [dreg:s7], $0x5FFFF  }
0xac: {  	[dreg:$0x1] =	wrdreg $0xFFFFFFFF  }
0xad: {  	[dreg:$0x0] =	wrdreg $0x60  }
0xae: {  	[dreg:$0x2] =	wrdreg s24  }
0xaf: {  	[dreg:$0x3] =	wrdreg s2  }
0xb0: {  	[dreg:$0x4] =	wrdreg $0x82000  }
0xb1: {  	[dreg:$0x5] =	wrdreg $0x9  }
0xb2: {  	_ =	task.clear_ibuf [dreg:s7], $0x6FFFF;
	_ =	strace $0x90000049  }
0xb3: {  	s29 =	simm.s32 $0x9;
	_ =	strace $0x8000004B  }
0xb4: {  	_ =	swait.ge [sflag:s29], $0x1  }
0xb5: {  	[sflag:s29] =	ssyncadd.s32 $0xFFFFFFFF  }
0xb6: {  	_ =	strace $0x9000004B  }
0xb7: {  	_ =	sfence  }
0xb8: {  	s30 =	sld [smem:$0x0];
	_ =	sdelay $0x2  }
0xb9: {  	s31 =	sshll.u32 s1, $0xD;
	s1 =	sshrl.u32 s1, $0x2  }
0xba: {  	s3 =	sand.u32 $0x4000, s31;
	s1 =	sadd.s32 s1, s30  }
0xbb: {  	s0 =	sor.u32 s3, s0;
	s1 =	sshll.u32 s1, $0x11  }
0xbc: {  	s0 =	sor.u32 s1, s0  }
0xbd: {  	s0 =	sadd.s32 $0x8F2B, s0  }
0xbe: {  	[sflag:s0] =	ssyncadd.remote.s32 $0x1  }
0xbf: {  	_ =	sfence.sel $0xFFFF  }
0xc0: {  	[dreg:$0x0] =	wrdreg $0xFFFFFFFF;
	(pc) =	sbr.abs _section_cstart, $3  }
0xc1: {  	[dreg:$0x1] =	wrdreg $0xFFFFFFFF  }
0xc2: {  	_ =	task.clear_ibuf [dreg:s7], $0x2FFFF;
	_ =	strace $0x9FFFFFFF  }
0xc3: {  	(tm) =	ssettm $0x7FFFFFFF  }
tec
execute0_lowered:
.L_overlay_start_1:
0x0: {  	(tag) =	ssettag $0x1  }
0x1: {  	s8 =	rddreg [dreg:$0x0]  }
0x2: {  	s12 =	rddreg [dreg:$0x1]  }
0x3: {  	s2 =	rddreg [dreg:$0x2]  }
0x4: {  	s0 =	rddreg [dreg:$0x3];
	s3 =	simm.s32 $0x0;
	s1 =	stileid.u32  }
0x5: {  	s4 =	srdreg.scid;
	s18 =	simm.s32 $0x100;
	s19 =	simm.s32 $0x2  }
0x6: {  	s20 =	simm.s32 $0x80;
	s21 =	simm.s32 $0x200;
	s22 =	simm.s32 $0x4200  }
0x7: {  	s23 =	simm.s32 $0x1;
	s24 =	simm.s32 $0x180;
	s25 =	simm.s32 $0x0  }
0x8: {  	[smem:$0x7FF] =	sst s3;
	s7 =	smul.u32 $0x14000, s1;
	s10 =	sand.u32 $0x1, s4  }
0x9: {  	s4 =	sadd.s32 $0x18600, s8;
	s5 =	sadd.s32 $0xE600, s8;
	s29 =	smul.u32 $0x50000, s1  }
0xa: {  	s6 =	sadd.s32 $0x4600, s8;
	s30 =	sshll.u32 s1, $0x6;
	s17 =	smul.u32 $0xA00, s1  }
0xb: {  	_ =	strace $0x8000004A;
	s9 =	smul.u32 $0x140000, s10;
	s14 =	ssub.s32 $0x2, s10  }
0xc: {  	p0 =	seq.s32 s10, $0x0;
	s11 =	sshrl.u32 s7, $0x3;
	s15 =	sshrl.u32 s14, $0x1  }
0xd: {  	s5 =	smov.u32 @p0 s12;
	s7 =	sadd.s32 s7, s9;
	s11 =	sadd.s32 s11, s8  }
0xe: {  	s9 =	sshrl.u32 s29, $0x2;
	s14 =	ssub.s32 s14, s15;
	s13 =	sshrl.u32 s7, $0x3  }
0xf: {  	s7 =	smul.u32 $0x5000, s1;
	s16 =	sadd.s32 s9, s2;
	s9 =	sor.u32 $0x1C03, s30  }
0x10: {  	s13 =	sadd.s32 s13, s8;
	s8 =	sadd.s32 $0x66800, s11;
	s16 =	sshrl.u32 s16, $0x3  }
0x11: {  	s31 =	sshrl.u32 s7, $0x3;
	s12 =	sadd.s32 $0x8E800, s13;
	s13 =	smax.u32 s14, $0x1  }
0x12: {  	s14 =	sadd.s32 s5, s17;
	s10 =	sadd.s32 s6, s31;
	s15 =	sadd.s32 s31, s5  }
0x13: {  	s17 =	simm.s32 $0x3;
	s11 =	sadd.s32 $0x10, s10;
	s15 =	sadd.s32 $0x10, s15  }
.LBB2_1:
0x14: {  	[spmem:s16], [sflag:s9] =	dma.local [hbm:s8], $0x2800  }
0x15: {  	_ =	swait.ge [sflag:s17], $0x2800  }
0x16: {  	[sflag:s17] =	ssyncset.done $0x0  }
0x17: {  	[sflag:s17] =	ssyncadd.s32 $0xFFFFD800  }
0x18: {  	[bflag:$0x0] =	sbarrier.arrive $0xFFFF  }
0x19: {  	[tilespmem:s3], [sflag:$0x2] =	stream.linear.gather [hbm4b:s14+s3], $0x80, $0x38;
	[tilespmem:$0x1C200] =	vst v63  }
0x1a: {  	_ = 	snop  }
0x1b: {  	[tilespmem:s18], [sflag:$0x2] =	stream.linear.gather [hbm4b:s10+s3], $0x80, $0x38;
	[tilespmem:$0x1C200] =	vst v63  }
0x1c: {  	_ =	swait.ge [sflag:s19], $0x80  }
0x1d: {  	[sflag:s19] =	ssyncset.done $0x0  }
0x1e: {  	[sflag:s19] =	ssyncadd.s32 $0xFFFFFF80  }
0x1f: {  	_ =	swait.ge [sflag:s19], $0x80  }
0x20: {  	[sflag:s19] =	ssyncset.done $0x0  }
0x21: {  	[sflag:s19] =	ssyncadd.s32 $0xFFFFFF80  }
0x22: {  	[tilespmem:s21], [sflag:$0x1] =	stream.indirect.gather [hbm4b:s4+s20], $0x80, s3, s20, $0xb8;
	[tilespmem:$0x1C200] =	vst v63  }
0x23: {  	_ = 	snop  }
0x24: {  	[tilespmem:s20], [sflag:$0x2] =	stream.linear.gather [hbm4b:s15+s3], $0x80, $0x38;
	[tilespmem:$0x1C200] =	vst v63  }
0x25: {  	_ = 	snop  }
0x26: {  	[tilespmem:s24], [sflag:$0x2] =	stream.linear.gather [hbm4b:s11+s3], $0x80, $0x38;
	[tilespmem:$0x1C200] =	vst v63  }
0x27: {  	_ =	swait.ge [sflag:s19], $0x80  }
0x28: {  	[sflag:s19] =	ssyncset.done $0x0  }
0x29: {  	[sflag:s19] =	ssyncadd.s32 $0xFFFFFF80  }
0x2a: {  	_ =	swait.ge [sflag:s19], $0x80  }
0x2b: {  	[sflag:s19] =	ssyncset.done $0x0  }
0x2c: {  	[sflag:s19] =	ssyncadd.s32 $0xFFFFFF80  }
0x2d: {  	[tilespmem:s22], [sflag:$0x1] =	stream.indirect.gather [hbm4b:s4+s20], $0x80, s20, s20, $0xb8;
	[tilespmem:$0x1C200] =	vst v63  }
0x2e: {  	s26 =	simm.s32 $0x100;
	_ =	swait.ge [sflag:s23], $0x4000  }
0x2f: {  	s28 =	sand.u32 $0xFC00, s26;
	[sflag:s23] =	ssyncset.done $0x0  }
0x30: {  	s26 =	sand.u32 $0x300, s26;
	s28 =	sadd.s32 s7, s28;
	[sflag:s23] =	ssyncadd.s32 $0xFFFFC000  }
0x31: {  	[spmem:s2] =	stream.indirect.scatter.add.f32 [tilespmem:s21], [sflag:$0x3], $0x80, s18, s20, $0xb8;
	[tilespmem:$0x1C200] =	vst v63  }
0x32: {  	s26 =	sor.u32 s26, s28;
	_ =	swait.ge [sflag:s17], $0x4000  }
0x33: {  	s26 =	sshrl.u32 s26, $0x3;
	[sflag:s17] =	ssyncset.done $0x0  }
0x34: {  	s31 =	sadd.s32 s5, s26;
	[sflag:s17] =	ssyncadd.s32 $0xFFFFC000  }
0x35: {  	[tilespmem:s3], [sflag:$0x2] =	stream.linear.gather [hbm4b:s31+s3], $0x80, $0x38;
	[tilespmem:$0x1C200] =	vst v63  }
0x36: {  	s26 =	sadd.s32 s6, s26  }
0x37: {  	[tilespmem:s18], [sflag:$0x2] =	stream.linear.gather [hbm4b:s26+s3], $0x80, $0x38;
	[tilespmem:$0x1C200] =	vst v63  }
0x38: {  	_ =	swait.ge [sflag:s19], $0x80  }
0x39: {  	[sflag:s19] =	ssyncset.done $0x0  }
0x3a: {  	[sflag:s19] =	ssyncadd.s32 $0xFFFFFF80  }
0x3b: {  	_ =	swait.ge [sflag:s19], $0x80  }
0x3c: {  	[sflag:s19] =	ssyncset.done $0x0  }
0x3d: {  	[sflag:s19] =	ssyncadd.s32 $0xFFFFFF80  }
0x3e: {  	[tilespmem:s21], [sflag:$0x1] =	stream.indirect.gather [hbm4b:s4+s20], $0x80, s3, s20, $0xb8;
	[tilespmem:$0x1C200] =	vst v63  }
0x3f: {  	_ =	swait.ge [sflag:s23], $0x4000  }
0x40: {  	s28 =	sand.u32 $0xFC00, s24;
	[sflag:s23] =	ssyncset.done $0x0  }
0x41: {  	s31 =	sand.u32 $0x380, s24;
	s26 =	sadd.s32 s7, s28;
	[sflag:s23] =	ssyncadd.s32 $0xFFFFC000  }
0x42: {  	[spmem:s2] =	stream.indirect.scatter.add.f32 [tilespmem:s22], [sflag:$0x3], $0x80, s24, s20, $0xb8;
	[tilespmem:$0x1C200] =	vst v63  }
0x43: {  	s26 =	sor.u32 s31, s26;
	_ =	swait.ge [sflag:s17], $0x4000  }
0x44: {  	s26 =	sshrl.u32 s26, $0x3;
	[sflag:s17] =	ssyncset.done $0x0  }
0x45: {  	s31 =	sadd.s32 s5, s26;
	[sflag:s17] =	ssyncadd.s32 $0xFFFFC000  }
0x46: {  	[tilespmem:s20], [sflag:$0x2] =	stream.linear.gather [hbm4b:s31+s3], $0x80, $0x38;
	[tilespmem:$0x1C200] =	vst v63  }
0x47: {  	s26 =	sadd.s32 s6, s26  }
0x48: {  	[tilespmem:s24], [sflag:$0x2] =	stream.linear.gather [hbm4b:s26+s3], $0x80, $0x38;
	[tilespmem:$0x1C200] =	vst v63  }
0x49: {  	_ =	swait.ge [sflag:s19], $0x80  }
0x4a: {  	[sflag:s19] =	ssyncset.done $0x0  }
0x4b: {  	[sflag:s19] =	ssyncadd.s32 $0xFFFFFF80  }
0x4c: {  	_ =	swait.ge [sflag:s19], $0x80  }
0x4d: {  	s31 =	simm.s32 $0x200;
	[sflag:s19] =	ssyncset.done $0x0  }
0x4e: {  	s29 =	sand.u32 $0xFC00, s31;
	s28 =	sand.u32 $0x300, s31;
	[sflag:s19] =	ssyncadd.s32 $0xFFFFFF80  }
0x4f: {  	[tilespmem:s22], [sflag:$0x1] =	stream.indirect.gather [hbm4b:s4+s20], $0x80, s20, s20, $0xb8;
	[tilespmem:$0x1C200] =	vst v63  }
0x50: {  	s26 =	simm.s32 $0x280;
	s30 =	sadd.s32 s7, s29;
	_ =	swait.ge [sflag:s23], $0x4000  }
0x51: {  	s29 =	simm.s32 $0x380;
	s30 =	sor.u32 s28, s30;
	[sflag:s23] =	ssyncset.done $0x0  }
.LBB2_2:
0x52: {  	s30 =	sshrl.u32 s30, $0x3  }
0x53: {  	[sflag:s23] =	ssyncadd.s32 $0xFFFFC000;
	s31 =	smov.u32 s29;
	s28 =	sadd.s32 $0x100, s29  }
0x54: {  	[spmem:s2] =	stream.indirect.scatter.add.f32 [tilespmem:s21], [sflag:$0x3], $0x80, s18, s20, $0xb8;
	[tilespmem:$0x1C200] =	vst v63  }
0x55: {  	p0 =	sne.s32 s29, $0x4E80;
	_ =	swait.ge [sflag:s17], $0x4000  }
0x56: {  	[sflag:s17] =	ssyncset.done $0x0  }
0x57: {  	s29 =	sadd.s32 s5, s30;
	[sflag:s17] =	ssyncadd.s32 $0xFFFFC000  }
0x58: {  	[tilespmem:s3], [sflag:$0x2] =	stream.linear.gather [hbm4b:s29+s3], $0x80, $0x38;
	[tilespmem:$0x1C200] =	vst v63  }
0x59: {  	s29 =	sadd.s32 s6, s30  }
0x5a: {  	[tilespmem:s18], [sflag:$0x2] =	stream.linear.gather [hbm4b:s29+s3], $0x80, $0x38;
	[tilespmem:$0x1C200] =	vst v63  }
0x5b: {  	_ =	swait.ge [sflag:s19], $0x80  }
0x5c: {  	[sflag:s19] =	ssyncset.done $0x0  }
0x5d: {  	[sflag:s19] =	ssyncadd.s32 $0xFFFFFF80  }
0x5e: {  	_ =	swait.ge [sflag:s19], $0x80  }
0x5f: {  	[sflag:s19] =	ssyncset.done $0x0  }
0x60: {  	[sflag:s19] =	ssyncadd.s32 $0xFFFFFF80  }
0x61: {  	[tilespmem:s21], [sflag:$0x1] =	stream.indirect.gather [hbm4b:s4+s20], $0x80, s3, s20, $0xb8;
	[tilespmem:$0x1C200] =	vst v63  }
0x62: {  	_ =	swait.ge [sflag:s23], $0x4000  }
0x63: {  	[sflag:s23] =	ssyncset.done $0x0  }
0x64: {  	s29 =	sand.u32 $0xFC00, s26;
	[sflag:s23] =	ssyncadd.s32 $0xFFFFC000  }
0x65: {  	[spmem:s2] =	stream.indirect.scatter.add.f32 [tilespmem:s22], [sflag:$0x3], $0x80, s24, s20, $0xb8;
	[tilespmem:$0x1C200] =	vst v63  }
0x66: {  	s26 =	sand.u32 $0x380, s26;
	s29 =	sadd.s32 s7, s29;
	_ =	swait.ge [sflag:s17], $0x4000  }
0x67: {  	s29 =	sor.u32 s26, s29;
	s26 =	smov.u32 s31;
	[sflag:s17] =	ssyncset.done $0x0  }
0x68: {  	s29 =	sshrl.u32 s29, $0x3;
	[sflag:s17] =	ssyncadd.s32 $0xFFFFC000  }
0x69: {  	s30 =	sadd.s32 s5, s29  }
0x6a: {  	[tilespmem:s20], [sflag:$0x2] =	stream.linear.gather [hbm4b:s30+s3], $0x80, $0x38;
	[tilespmem:$0x1C200] =	vst v63  }
0x6b: {  	s29 =	sadd.s32 s6, s29  }
0x6c: {  	[tilespmem:s24], [sflag:$0x2] =	stream.linear.gather [hbm4b:s29+s3], $0x80, $0x38;
	[tilespmem:$0x1C200] =	vst v63  }
0x6d: {  	_ =	swait.ge [sflag:s19], $0x80  }
0x6e: {  	[sflag:s19] =	ssyncset.done $0x0  }
0x6f: {  	[sflag:s19] =	ssyncadd.s32 $0xFFFFFF80  }
0x70: {  	_ =	swait.ge [sflag:s19], $0x80  }
.Ltmp0:
0x71: {  	s29 =	sadd.s32 $0xFFFFFF80, s26;
	[sflag:s19] =	ssyncset.done $0x0;
	(pc) =	sbr.rel @p0 .LBB2_2-.Ltmp0, $4  }
0x72: {  	s30 =	sand.u32 $0xFC00, s29;
	[sflag:s19] =	ssyncadd.s32 $0xFFFFFF80  }
0x73: {  	[tilespmem:s22], [sflag:$0x1] =	stream.indirect.gather [hbm4b:s4+s20], $0x80, s20, s20, $0xb8;
	[tilespmem:$0x1C200] =	vst v63  }
0x74: {  	s29 =	sand.u32 $0x300, s29;
	s30 =	sadd.s32 s7, s30;
	_ =	swait.ge [sflag:s23], $0x4000  }
0x75: {  	s30 =	sor.u32 s29, s30;
	s29 =	smov.u32 s28;
	[sflag:s23] =	ssyncset.done $0x0  }
0x76: {  	[sflag:s23] =	ssyncadd.s32 $0xFFFFC000  }
0x77: {  	[spmem:s2] =	stream.indirect.scatter.add.f32 [tilespmem:s21], [sflag:$0x3], $0x80, s18, s20, $0xb8;
	[tilespmem:$0x1C200] =	vst v63  }
0x78: {  	_ =	swait.ge [sflag:s17], $0x4000  }
0x79: {  	s28 =	sshrl.u32 s30, $0x3;
	[sflag:s17] =	ssyncset.done $0x0  }
0x7a: {  	s29 =	sadd.s32 s5, s28;
	[sflag:s17] =	ssyncadd.s32 $0xFFFFC000  }
0x7b: {  	[tilespmem:s3], [sflag:$0x2] =	stream.linear.gather [hbm4b:s29+s3], $0x80, $0x38;
	[tilespmem:$0x1C200] =	vst v63  }
0x7c: {  	s28 =	sadd.s32 s6, s28  }
0x7d: {  	[tilespmem:s18], [sflag:$0x2] =	stream.linear.gather [hbm4b:s28+s3], $0x80, $0x38;
	[tilespmem:$0x1C200] =	vst v63  }
0x7e: {  	_ =	swait.ge [sflag:s19], $0x80  }
0x7f: {  	[sflag:s19] =	ssyncset.done $0x0  }
0x80: {  	[sflag:s19] =	ssyncadd.s32 $0xFFFFFF80  }
0x81: {  	_ =	swait.ge [sflag:s19], $0x80  }
0x82: {  	[sflag:s19] =	ssyncset.done $0x0  }
0x83: {  	[sflag:s19] =	ssyncadd.s32 $0xFFFFFF80  }
0x84: {  	[tilespmem:s21], [sflag:$0x1] =	stream.indirect.gather [hbm4b:s4+s20], $0x80, s3, s20, $0xb8;
	[tilespmem:$0x1C200] =	vst v63  }
0x85: {  	_ =	swait.ge [sflag:s23], $0x4000  }
0x86: {  	s29 =	sand.u32 $0xFC00, s26;
	[sflag:s23] =	ssyncset.done $0x0  }
0x87: {  	s30 =	sand.u32 $0x380, s26;
	s28 =	sadd.s32 s7, s29;
	[sflag:s23] =	ssyncadd.s32 $0xFFFFC000  }
0x88: {  	[spmem:s2] =	stream.indirect.scatter.add.f32 [tilespmem:s22], [sflag:$0x3], $0x80, s24, s20, $0xb8;
	[tilespmem:$0x1C200] =	vst v63  }
0x89: {  	s26 =	sor.u32 s30, s28;
	_ =	swait.ge [sflag:s17], $0x4000  }
0x8a: {  	s26 =	sshrl.u32 s26, $0x3;
	[sflag:s17] =	ssyncset.done $0x0  }
0x8b: {  	s31 =	sadd.s32 s5, s26;
	[sflag:s17] =	ssyncadd.s32 $0xFFFFC000  }
0x8c: {  	[tilespmem:s20], [sflag:$0x2] =	stream.linear.gather [hbm4b:s31+s3], $0x80, $0x38;
	[tilespmem:$0x1C200] =	vst v63  }
0x8d: {  	s26 =	sadd.s32 s6, s26  }
0x8e: {  	[tilespmem:s24], [sflag:$0x2] =	stream.linear.gather [hbm4b:s26+s3], $0x80, $0x38;
	[tilespmem:$0x1C200] =	vst v63  }
0x8f: {  	_ =	swait.ge [sflag:s19], $0x80  }
0x90: {  	[sflag:s19] =	ssyncset.done $0x0  }
0x91: {  	[sflag:s19] =	ssyncadd.s32 $0xFFFFFF80  }
0x92: {  	_ =	swait.ge [sflag:s19], $0x80  }
0x93: {  	[sflag:s19] =	ssyncset.done $0x0  }
0x94: {  	[sflag:s19] =	ssyncadd.s32 $0xFFFFFF80  }
0x95: {  	[tilespmem:s22], [sflag:$0x1] =	stream.indirect.gather [hbm4b:s4+s20], $0x80, s20, s20, $0xb8;
	[tilespmem:$0x1C200] =	vst v63  }
0x96: {  	_ =	swait.ge [sflag:s23], $0x4000  }
0x97: {  	[sflag:s23] =	ssyncset.done $0x0  }
0x98: {  	[sflag:s23] =	ssyncadd.s32 $0xFFFFC000  }
0x99: {  	[spmem:s2] =	stream.indirect.scatter.add.f32 [tilespmem:s21], [sflag:$0x3], $0x80, s18, s20, $0xb8;
	[tilespmem:$0x1C200] =	vst v63  }
0x9a: {  	_ =	swait.ge [sflag:s17], $0x4000  }
0x9b: {  	[sflag:s17] =	ssyncset.done $0x0  }
0x9c: {  	[sflag:s17] =	ssyncadd.s32 $0xFFFFC000  }
0x9d: {  	_ =	swait.ge [sflag:s23], $0x4000  }
0x9e: {  	[sflag:s23] =	ssyncset.done $0x0  }
0x9f: {  	[sflag:s23] =	ssyncadd.s32 $0xFFFFC000  }
0xa0: {  	[spmem:s2] =	stream.indirect.scatter.add.f32 [tilespmem:s22], [sflag:$0x3], $0x80, s24, s20, $0xb8;
	[tilespmem:$0x1C200] =	vst v63  }
0xa1: {  	_ =	swait.ge [sflag:s17], $0x4000  }
0xa2: {  	s25 =	sadd.s32 $0x1, s25;
	[sflag:s17] =	ssyncset.done $0x0  }
0xa3: {  	p0 =	sne.s32 s25, s13;
	[sflag:s17] =	ssyncadd.s32 $0xFFFFC000  }
.Ltmp1:
0xa4: {  	[bflag:$0x0] =	sbarrier.arrive $0xFFFF;
	(pc) =	sbr.rel @p0 .LBB2_1-.Ltmp1, $4  }
0xa5: {  	[hbm:s12], [sflag:s9] =	dma.local [spmem:s16], $0x2800  }
0xa6: {  	_ =	swait.ge [sflag:s17], $0x2800  }
0xa7: {  	[sflag:s17] =	ssyncset.done $0x0  }
0xa8: {  	[sflag:s17] =	ssyncadd.s32 $0xFFFFD800  }
0xa9: {  	_ =	sfence.sel $0x180000  }
0xaa: {  	[bflag:$0x0] =	sbarrier.arrive $0xFFFF  }
0xab: {  	p0 =	sne.s32 s1, $0x0;
	_ =	strace $0x9000004A  }
0xac: {  	s0 =	sadd.s32 @!p0 $0x100000, s0;
	[bflag:$0x2] =	sbarrier.arrive $0xFFFF  }
0xad: {  	[sflag:s0] =	ssyncadd.tile.s32 @!p0 $0x1;
	_ =	shalt  }
.Lfunc_end2:
_tile_overlayer_lowered:
.L_overlay_start_2:
0xae: {  	(tag) =	ssettag $0x2  }
0xaf: {  	s0 =	rddreg [dreg:$0x0];
	s2 =	stileid.u32  }
0xb0: {  	s1 =	rddreg [dreg:$0x1];
	p0 =	sne.s32 s2, $0x0  }
0xb1: {  	s3 =	rddreg [dreg:$0x2];
	[bflag:$0x3] =	sbarrier.arrive $0xFFFF;
	s2 =	simm.s32 @!p0 $0x1C03  }
0xb2: {  	[timem:s3], [sflag:s2] =	dma.local @!p0 [hbm:s0], s1  }
0xb3: {  	s0 =	simm.s32 @!p0 $0x3  }
0xb4: {  	_ =	swait.ge @!p0 [sflag:s0], s1  }
0xb5: {  	s1 =	ssub.s32 @!p0 $0x0, s1;
	[sflag:s0] =	ssyncset.done @!p0 $0x0  }
0xb6: {  	[sflag:s0] =	ssyncadd.s32 @!p0 s1  }
0xb7: {  	[bflag:$0x3] =	sbarrier.arrive $0xFFFF  }
0xb8: {  	_ =	shalt  }

// kernel: kernel.9.cloned.1.call-start
scs
__scs_entry_jumppad:
0x0: {  	(pc) =	sbr.rel $0x88, $3  }
0x1: {  	(tag) =	ssettag $0x0;
	lr =	simm.s32 $0x1  }
0x2: {  	[smem:$0x3F89] =	sst lr;
	_ =	strace $0xD0000000  }
0x3: {  	_ = 	snop  }
0x4: {  	_ = 	snop  }
0x5: {  	_ = 	snop  }
0x6: {  	_ = 	snop  }
0x7: {  	_ = 	snop  }
__scs_overlays_trampoline_lowered:
0x8: {  	[smem:$0x3F98] =	sst s0  }
0x9: {  	[smem:$0x3F99] =	sst s1  }
0xa: {  	[smem:$0x3F9A] =	sst s2  }
0xb: {  	[smem:$0x3F9B] =	sst s3  }
0xc: {  	[smem:$0x3F9C] =	sst s4  }
0xd: {  	[smem:$0x3F9D] =	sst s5  }
0xe: {  	[smem:$0x3F9E] =	sst s6  }
0xf: {  	[smem:$0x3F9F] =	sst s7  }
0x10: {  	[smem:$0x3FA0] =	sst s8  }
0x11: {  	[smem:$0x3FA1] =	sst s9;
	s0 =	simm.s32 @!p0 $0x0  }
0x12: {  	s1 =	sld [smem:$0x3F87];
	s0 =	simm.s32 @p0 $0x1  }
0x13: {  	[smem:$0x3FA2] =	sst s0;
	s0 =	simm.s32 @!p1 $0x0  }
0x14: {  	s2 =	sld [smem:$0x3F86];
	s0 =	simm.s32 @p1 $0x1  }
0x15: {  	[smem:$0x3FA3] =	sst s0;
	s0 =	simm.s32 @!p2 $0x0  }
0x16: {  	s3 =	sld [smem:$0x3FDB];
	s0 =	simm.s32 @p2 $0x1  }
0x17: {  	s4 =	simm.s32 $0x1BF5;
	[smem:$0x3FA5] =	sst s0  }
0x18: {  	s0 =	sld [smem:$0x3F88];
	_ =	swait.ge [sflag:s4], $0x0  }
0x19: {  	s7 =	sld [smem:$0x3F89]  }
0x1a: {  	s8 =	sadd.s32 $0xFFFFE003, lr  }
0x1b: {  	s9 =	sadd.s32 $0xFFFFFEF7, lr;
	s5 =	simm.s32 $0xFFFFFFFF;
	p2 =	slt.u32 s8, $0xFFFFF086  }
0x1c: {  	p1 =	slt.u32 s9, $0xF7A;
	s5 =	simm.s32 @!p2 $0x0  }
0x1d: {  	s5 =	simm.s32 @p1 $0x1;
	p0 =	seq.s32 s7, s2  }
0x1e: {  	s7 =	smul.u32 @!p0 $0xF7A, s2;
	p2 =	seq.s32 @!p0 s5, $0x0  }
0x1f: {  	s9 =	smul.u32 $0xF7A, s1;
	s8 =	simm.s32 @!p0 $0x1BF5;
	p2 =	por !p2, p0  }
0x20: {  	[sflag:s8] =	ssyncset.s32 @!p0 $0xFFFFF086;
	s6 =	sadd.s32 @!p0 s3, s7;
	s7 =	simm.s32 @!p0 $0x108  }
0x21: {  	s3 =	sadd.s32 s3, s9;
	s6 =	sadd.s32 @!p0 $0x88, s6;
	s7 =	simm.s32 @p2 $0x1082  }
0x22: {  	[simem:s7], [sflag:s8] =	dma.local @!p0 [hbm:s6], $0xF7A  }
0x23: {  	s9 =	sor.u32 $0xD0000000, s2;
	s6 =	simm.s32 $0x108;
	_ =	swait.ge @!p0 [sflag:s8], $0x0  }
0x24: {  	s3 =	sadd.s32 $0x88, s3;
	s6 =	simm.s32 @!p1 $0x1082;
	[sflag:s4] =	ssyncset.s32 $0xFFFFF086  }
0x25: {  	[simem:s6], [sflag:s4] =	dma.local [hbm:s3], $0xF7A  }
0x26: {  	[smem:$0x3F89] =	sst s1;
	(tag) =	ssettag s2;
	_ =	strace s9  }
0x27: {  	s1 =	sld [smem:$0x3F99]  }
0x28: {  	s2 =	sld [smem:$0x3F9A]  }
0x29: {  	s4 =	sld [smem:$0x3F9C]  }
0x2a: {  	p0 =	seq.s32 s5, $0x0;
	s5 =	sld [smem:$0x3F9D]  }
0x2b: {  	s6 =	sld [smem:$0x3F9E]  }
0x2c: {  	s7 =	sld [smem:$0x3F9F]  }
0x2d: {  	s3 =	simm.s32 $0x108;
	s8 =	sld [smem:$0x3FA0]  }
0x2e: {  	s3 =	simm.s32 @!p0 $0x1082;
	s9 =	sld [smem:$0x3FA1]  }
0x2f: {  	lr =	sadd.s32 s0, s3;
	s0 =	sld [smem:$0x3F98]  }
0x30: {  	s3 =	sld [smem:$0x3F9B]  }
0x31: {  	[smem:$0x3FA4] =	sst s10  }
0x32: {  	s10 =	sld [smem:$0x3FA2];
	_ =	sdelay $0x3  }
0x33: {  	p0 =	seq.s32 s10, $0x1;
	s10 =	sld [smem:$0x3FA4];
	_ =	sdelay $0x3  }
0x34: {  	[smem:$0x3FA4] =	sst s10  }
0x35: {  	s10 =	sld [smem:$0x3FA3];
	_ =	sdelay $0x3  }
0x36: {  	p1 =	seq.s32 s10, $0x1;
	s10 =	sld [smem:$0x3FA4];
	_ =	sdelay $0x3  }
0x37: {  	[smem:$0x3FA4] =	sst s10  }
0x38: {  	s10 =	sld [smem:$0x3FA5]  }
0x39: {  	_ = 	snop;
	(pc) =	sbr.ind lr, $3  }
0x3a: {  	_ = 	snop  }
0x3b: {  	_ = 	snop  }
0x3c: {  	p2 =	seq.s32 s10, $0x1;
	s10 =	sld [smem:$0x3FA4]  }
0x3d: {  	_ =	shalt  }
0x3e: {  	_ =	shalt  }
0x3f: {  	_ =	shalt  }
0x40: {  	_ =	shalt  }
0x41: {  	_ =	shalt  }
0x42: {  	_ =	shalt  }
0x43: {  	_ =	shalt  }
0x44: {  	_ =	shalt  }
0x45: {  	_ =	shalt  }
0x46: {  	_ =	shalt  }
0x47: {  	_ =	shalt  }
0x48: {  	_ =	shalt  }
0x49: {  	_ =	shalt  }
0x4a: {  	_ =	shalt  }
0x4b: {  	_ =	shalt  }
0x4c: {  	_ =	shalt  }
0x4d: {  	_ =	shalt  }
0x4e: {  	_ =	shalt  }
0x4f: {  	_ =	shalt  }
0x50: {  	_ =	shalt  }
0x51: {  	_ =	shalt  }
0x52: {  	_ =	shalt  }
0x53: {  	_ =	shalt  }
0x54: {  	_ =	shalt  }
0x55: {  	_ =	shalt  }
0x56: {  	_ =	shalt  }
0x57: {  	_ =	shalt  }
0x58: {  	_ =	shalt  }
0x59: {  	_ =	shalt  }
0x5a: {  	_ =	shalt  }
0x5b: {  	_ =	shalt  }
0x5c: {  	_ =	shalt  }
0x5d: {  	_ =	shalt  }
0x5e: {  	_ =	shalt  }
0x5f: {  	_ =	shalt  }
0x60: {  	_ =	shalt  }
0x61: {  	_ =	shalt  }
0x62: {  	_ =	shalt  }
0x63: {  	_ =	shalt  }
0x64: {  	_ =	shalt  }
0x65: {  	_ =	shalt  }
0x66: {  	_ =	shalt  }
0x67: {  	_ =	shalt  }
0x68: {  	_ =	shalt  }
0x69: {  	_ =	shalt  }
0x6a: {  	_ =	shalt  }
0x6b: {  	_ =	shalt  }
0x6c: {  	_ =	shalt  }
0x6d: {  	_ =	shalt  }
0x6e: {  	_ =	shalt  }
0x6f: {  	_ =	shalt  }
0x70: {  	_ =	shalt  }
0x71: {  	_ =	shalt  }
0x72: {  	_ =	shalt  }
0x73: {  	_ =	shalt  }
0x74: {  	_ =	shalt  }
0x75: {  	_ =	shalt  }
0x76: {  	_ =	shalt  }
0x77: {  	_ =	shalt  }
0x78: {  	_ =	shalt  }
0x79: {  	_ =	shalt  }
0x7a: {  	_ =	shalt  }
0x7b: {  	_ =	shalt  }
0x7c: {  	_ =	shalt  }
0x7d: {  	_ =	shalt  }
0x7e: {  	_ =	shalt  }
0x7f: {  	_ =	shalt  }
0x80: {  	_ =	shalt  }
0x81: {  	_ =	shalt  }
0x82: {  	_ =	shalt  }
0x83: {  	_ =	shalt  }
0x84: {  	_ =	shalt  }
0x85: {  	_ =	shalt  }
0x86: {  	_ =	shalt  }
0x87: {  	_ =	shalt  }
.Lfunc_end0:
.L_simem_size_0:
called_computation_lowered:
.L_overlay_start_0:
0x88: {  	s2 =	sld [smem:$0x3FD9]  }
0x89: {  	s3 =	sld [smem:$0x3FFE];
	_ =	sdelay $0x1  }
0x8a: {  	s1 =	srdreg.scid  }
0x8b: {  	s0 =	sand.u32 $0x1, s1  }
0x8c: {  	s17 =	sshll.u32 s0, $0xA;
	s2 =	sadd.s32 s3, s2  }
0x8d: {  	s2 =	sadd.s32 s2, s17  }
0x8e: {  	[smem:$0x3FB0] =	sst s2  }
0x8f: {  	_ = 	snop  }
0x90: {  	s2 =	sld [smem:$0x3FD0];
	(tm) =	ssettm $0x1  }
0x91: {  	s18 =	sld [smem:$0x3FFB];
	_ =	sdelay $0x3  }
0x92: {  	_ =	strace s18  }
0x93: {  	s3 =	sld [smem:$0x3FFC];
	_ =	sdelay $0x3  }
0x94: {  	_ =	strace s3  }
0x95: {  	s3 =	sld [smem:$0x3FFD];
	_ =	sdelay $0x3  }
0x96: {  	_ =	strace s3  }
0x97: {  	_ =	strace $0x8FFFFFFF  }
0x98: {  	s19 =	sld [smem:$0x3FDB];
	_ =	sdelay $0x1  }
0x99: {  	s4 =	simm.s32 $_scs_section_size  }
0x9a: {  	s5 =	simm.s32 $_size__tile_overlayer_lowered;
	s6 =	simm.s32 $_tile_overlayer_lowered  }
0x9b: {  	s22 =	simm.s32 $0x1BFF;
	s21 =	sshll.u32 s6, $0x1;
	s3 =	sadd.s32 s4, s19  }
0x9c: {  	s7 =	simm.s32 $0x0;
	s20 =	sshll.u32 s5, $0x1;
	s5 =	sadd.s32 s21, s3  }
0x9d: {  	[timem:s7], [sflag:s22] =	dma.local [hbm:s5], s20  }
0x9e: {  	_ =	swait.ge [sflag:s22], s20  }
0x9f: {  	s4 =	ssub.s32 $0x0, s20;
	[sflag:s22] =	ssyncset.done $0x0  }
0xa0: {  	[sflag:s22] =	ssyncadd.s32 s4;
	_ =	sdelay $0x1  }
0xa1: {  	s23 =	simm.s32 $0x1B8B  }
0xa2: {  	_ =	swait.ge [sflag:s23], $0x1  }
0xa3: {  	[sflag:s23] =	ssyncset.done $0x0  }
0xa4: {  	s25 =	simm.s32 $0x1B8E;
	s24 =	sld [smem:$0x3FFE];
	[sflag:s23] =	ssyncadd.s32 $0xFFFFFFFF  }
0xa5: {  	s26 =	simm.s32 $execute0_lowered;
	[smem:$0x3FD2] =	sst s25  }
0xa6: {  	s5 =	sshll.u32 s26, $0x1;
	_ =	strace $0x80000046;
	[dreg:$0x1] =	wrdreg $0xFFFFFFFF  }
0xa7: {  	s28 =	simm.s32 $_size_execute0_lowered;
	s3 =	sadd.s32 s3, s5;
	[dreg:$0x0] =	wrdreg $0x0  }
0xa8: {  	s5 =	sshll.u32 s28, $0x1;
	[dreg:$0x2] =	wrdreg s3  }
0xa9: {  	[dreg:$0x3] =	wrdreg s5  }
0xaa: {  	[dreg:$0x4] =	wrdreg $0xC0  }
0xab: {  	_ =	task [dreg:s7], $0x5FFFF  }
0xac: {  	[dreg:$0x1] =	wrdreg $0xFFFFFFFF  }
0xad: {  	[dreg:$0x0] =	wrdreg $0x60  }
0xae: {  	[dreg:$0x2] =	wrdreg s24  }
0xaf: {  	[dreg:$0x3] =	wrdreg s2  }
0xb0: {  	[dreg:$0x4] =	wrdreg $0x82000  }
0xb1: {  	[dreg:$0x5] =	wrdreg $0x9  }
0xb2: {  	_ =	task.clear_ibuf [dreg:s7], $0x6FFFF;
	_ =	strace $0x90000046  }
0xb3: {  	s29 =	simm.s32 $0x9;
	_ =	strace $0x80000048  }
0xb4: {  	_ =	swait.ge [sflag:s29], $0x1  }
0xb5: {  	[sflag:s29] =	ssyncadd.s32 $0xFFFFFFFF  }
0xb6: {  	_ =	strace $0x90000048  }
0xb7: {  	_ =	sfence  }
0xb8: {  	s30 =	sld [smem:$0x0];
	_ =	sdelay $0x2  }
0xb9: {  	s31 =	sshll.u32 s1, $0xD;
	s1 =	sshrl.u32 s1, $0x2  }
0xba: {  	s3 =	sand.u32 $0x4000, s31;
	s1 =	sadd.s32 s1, s30  }
0xbb: {  	s0 =	sor.u32 s3, s0;
	s1 =	sshll.u32 s1, $0x11  }
0xbc: {  	s0 =	sor.u32 s1, s0  }
0xbd: {  	s0 =	sadd.s32 $0x8F2B, s0  }
0xbe: {  	[sflag:s0] =	ssyncadd.remote.s32 $0x1  }
0xbf: {  	_ =	sfence.sel $0xFFFF  }
0xc0: {  	[dreg:$0x0] =	wrdreg $0xFFFFFFFF;
	(pc) =	sbr.abs _section_cstart, $3  }
0xc1: {  	[dreg:$0x1] =	wrdreg $0xFFFFFFFF  }
0xc2: {  	_ =	task.clear_ibuf [dreg:s7], $0x2FFFF;
	_ =	strace $0x9FFFFFFF  }
0xc3: {  	(tm) =	ssettm $0x7FFFFFFF  }
tec
execute0_lowered:
.L_overlay_start_1:
0x0: {  	(tag) =	ssettag $0x1  }
0x1: {  	s8 =	rddreg [dreg:$0x0]  }
0x2: {  	s12 =	rddreg [dreg:$0x1]  }
0x3: {  	s2 =	rddreg [dreg:$0x2]  }
0x4: {  	s0 =	rddreg [dreg:$0x3];
	s3 =	simm.s32 $0x0;
	s1 =	stileid.u32  }
0x5: {  	s4 =	srdreg.scid;
	s18 =	simm.s32 $0x100;
	s19 =	simm.s32 $0x2  }
0x6: {  	s20 =	simm.s32 $0x80;
	s21 =	simm.s32 $0x200;
	s22 =	simm.s32 $0x4200  }
0x7: {  	s23 =	simm.s32 $0x1;
	s24 =	simm.s32 $0x180;
	s25 =	simm.s32 $0x0  }
0x8: {  	[smem:$0x7FF] =	sst s3;
	s7 =	smul.u32 $0x14000, s1;
	s10 =	sand.u32 $0x1, s4  }
0x9: {  	s4 =	sadd.s32 $0x18600, s8;
	s5 =	sadd.s32 $0xE600, s8;
	s29 =	smul.u32 $0x50000, s1  }
0xa: {  	s6 =	sadd.s32 $0x4600, s8;
	s30 =	sshll.u32 s1, $0x6;
	s17 =	smul.u32 $0xA00, s1  }
0xb: {  	_ =	strace $0x80000047;
	s9 =	smul.u32 $0x140000, s10;
	s14 =	ssub.s32 $0x2, s10  }
0xc: {  	p0 =	seq.s32 s10, $0x0;
	s11 =	sshrl.u32 s7, $0x3;
	s15 =	sshrl.u32 s14, $0x1  }
0xd: {  	s5 =	smov.u32 @p0 s12;
	s7 =	sadd.s32 s7, s9;
	s11 =	sadd.s32 s11, s8  }
0xe: {  	s9 =	sshrl.u32 s29, $0x2;
	s14 =	ssub.s32 s14, s15;
	s13 =	sshrl.u32 s7, $0x3  }
0xf: {  	s7 =	smul.u32 $0x5000, s1;
	s16 =	sadd.s32 s9, s2;
	s9 =	sor.u32 $0x1C03, s30  }
0x10: {  	s13 =	sadd.s32 s13, s8;
	s8 =	sadd.s32 $0x66800, s11;
	s16 =	sshrl.u32 s16, $0x3  }
0x11: {  	s31 =	sshrl.u32 s7, $0x3;
	s12 =	sadd.s32 $0x8E800, s13;
	s13 =	smax.u32 s14, $0x1  }
0x12: {  	s14 =	sadd.s32 s5, s17;
	s10 =	sadd.s32 s6, s31;
	s15 =	sadd.s32 s31, s5  }
0x13: {  	s17 =	simm.s32 $0x3;
	s11 =	sadd.s32 $0x10, s10;
	s15 =	sadd.s32 $0x10, s15  }
.LBB2_1:
0x14: {  	[spmem:s16], [sflag:s9] =	dma.local [hbm:s8], $0x2800  }
0x15: {  	_ =	swait.ge [sflag:s17], $0x2800  }
0x16: {  	[sflag:s17] =	ssyncset.done $0x0  }
0x17: {  	[sflag:s17] =	ssyncadd.s32 $0xFFFFD800  }
0x18: {  	[bflag:$0x0] =	sbarrier.arrive $0xFFFF  }
0x19: {  	[tilespmem:s3], [sflag:$0x2] =	stream.linear.gather [hbm4b:s14+s3], $0x80, $0x38;
	[tilespmem:$0x1C200] =	vst v63  }
0x1a: {  	_ = 	snop  }
0x1b: {  	[tilespmem:s18], [sflag:$0x2] =	stream.linear.gather [hbm4b:s10+s3], $0x80, $0x38;
	[tilespmem:$0x1C200] =	vst v63  }
0x1c: {  	_ =	swait.ge [sflag:s19], $0x80  }
0x1d: {  	[sflag:s19] =	ssyncset.done $0x0  }
0x1e: {  	[sflag:s19] =	ssyncadd.s32 $0xFFFFFF80  }
0x1f: {  	_ =	swait.ge [sflag:s19], $0x80  }
0x20: {  	[sflag:s19] =	ssyncset.done $0x0  }
0x21: {  	[sflag:s19] =	ssyncadd.s32 $0xFFFFFF80  }
0x22: {  	[tilespmem:s21], [sflag:$0x1] =	stream.indirect.gather [hbm4b:s4+s20], $0x80, s3, s20, $0xb8;
	[tilespmem:$0x1C200] =	vst v63  }
0x23: {  	_ = 	snop  }
0x24: {  	[tilespmem:s20], [sflag:$0x2] =	stream.linear.gather [hbm4b:s15+s3], $0x80, $0x38;
	[tilespmem:$0x1C200] =	vst v63  }
0x25: {  	_ = 	snop  }
0x26: {  	[tilespmem:s24], [sflag:$0x2] =	stream.linear.gather [hbm4b:s11+s3], $0x80, $0x38;
	[tilespmem:$0x1C200] =	vst v63  }
0x27: {  	_ =	swait.ge [sflag:s19], $0x80  }
0x28: {  	[sflag:s19] =	ssyncset.done $0x0  }
0x29: {  	[sflag:s19] =	ssyncadd.s32 $0xFFFFFF80  }
0x2a: {  	_ =	swait.ge [sflag:s19], $0x80  }
0x2b: {  	[sflag:s19] =	ssyncset.done $0x0  }
0x2c: {  	[sflag:s19] =	ssyncadd.s32 $0xFFFFFF80  }
0x2d: {  	[tilespmem:s22], [sflag:$0x1] =	stream.indirect.gather [hbm4b:s4+s20], $0x80, s20, s20, $0xb8;
	[tilespmem:$0x1C200] =	vst v63  }
0x2e: {  	s26 =	simm.s32 $0x100;
	_ =	swait.ge [sflag:s23], $0x4000  }
0x2f: {  	s28 =	sand.u32 $0xFC00, s26;
	[sflag:s23] =	ssyncset.done $0x0  }
0x30: {  	s26 =	sand.u32 $0x300, s26;
	s28 =	sadd.s32 s7, s28;
	[sflag:s23] =	ssyncadd.s32 $0xFFFFC000  }
0x31: {  	[spmem:s2] =	stream.indirect.scatter.add.f32 [tilespmem:s21], [sflag:$0x3], $0x80, s18, s20, $0xb8;
	[tilespmem:$0x1C200] =	vst v63  }
0x32: {  	s26 =	sor.u32 s26, s28;
	_ =	swait.ge [sflag:s17], $0x4000  }
0x33: {  	s26 =	sshrl.u32 s26, $0x3;
	[sflag:s17] =	ssyncset.done $0x0  }
0x34: {  	s31 =	sadd.s32 s5, s26;
	[sflag:s17] =	ssyncadd.s32 $0xFFFFC000  }
0x35: {  	[tilespmem:s3], [sflag:$0x2] =	stream.linear.gather [hbm4b:s31+s3], $0x80, $0x38;
	[tilespmem:$0x1C200] =	vst v63  }
0x36: {  	s26 =	sadd.s32 s6, s26  }
0x37: {  	[tilespmem:s18], [sflag:$0x2] =	stream.linear.gather [hbm4b:s26+s3], $0x80, $0x38;
	[tilespmem:$0x1C200] =	vst v63  }
0x38: {  	_ =	swait.ge [sflag:s19], $0x80  }
0x39: {  	[sflag:s19] =	ssyncset.done $0x0  }
0x3a: {  	[sflag:s19] =	ssyncadd.s32 $0xFFFFFF80  }
0x3b: {  	_ =	swait.ge [sflag:s19], $0x80  }
0x3c: {  	[sflag:s19] =	ssyncset.done $0x0  }
0x3d: {  	[sflag:s19] =	ssyncadd.s32 $0xFFFFFF80  }
0x3e: {  	[tilespmem:s21], [sflag:$0x1] =	stream.indirect.gather [hbm4b:s4+s20], $0x80, s3, s20, $0xb8;
	[tilespmem:$0x1C200] =	vst v63  }
0x3f: {  	_ =	swait.ge [sflag:s23], $0x4000  }
0x40: {  	s28 =	sand.u32 $0xFC00, s24;
	[sflag:s23] =	ssyncset.done $0x0  }
0x41: {  	s31 =	sand.u32 $0x380, s24;
	s26 =	sadd.s32 s7, s28;
	[sflag:s23] =	ssyncadd.s32 $0xFFFFC000  }
0x42: {  	[spmem:s2] =	stream.indirect.scatter.add.f32 [tilespmem:s22], [sflag:$0x3], $0x80, s24, s20, $0xb8;
	[tilespmem:$0x1C200] =	vst v63  }
0x43: {  	s26 =	sor.u32 s31, s26;
	_ =	swait.ge [sflag:s17], $0x4000  }
0x44: {  	s26 =	sshrl.u32 s26, $0x3;
	[sflag:s17] =	ssyncset.done $0x0  }
0x45: {  	s31 =	sadd.s32 s5, s26;
	[sflag:s17] =	ssyncadd.s32 $0xFFFFC000  }
0x46: {  	[tilespmem:s20], [sflag:$0x2] =	stream.linear.gather [hbm4b:s31+s3], $0x80, $0x38;
	[tilespmem:$0x1C200] =	vst v63  }
0x47: {  	s26 =	sadd.s32 s6, s26  }
0x48: {  	[tilespmem:s24], [sflag:$0x2] =	stream.linear.gather [hbm4b:s26+s3], $0x80, $0x38;
	[tilespmem:$0x1C200] =	vst v63  }
0x49: {  	_ =	swait.ge [sflag:s19], $0x80  }
0x4a: {  	[sflag:s19] =	ssyncset.done $0x0  }
0x4b: {  	[sflag:s19] =	ssyncadd.s32 $0xFFFFFF80  }
0x4c: {  	_ =	swait.ge [sflag:s19], $0x80  }
0x4d: {  	s31 =	simm.s32 $0x200;
	[sflag:s19] =	ssyncset.done $0x0  }
0x4e: {  	s29 =	sand.u32 $0xFC00, s31;
	s28 =	sand.u32 $0x300, s31;
	[sflag:s19] =	ssyncadd.s32 $0xFFFFFF80  }
0x4f: {  	[tilespmem:s22], [sflag:$0x1] =	stream.indirect.gather [hbm4b:s4+s20], $0x80, s20, s20, $0xb8;
	[tilespmem:$0x1C200] =	vst v63  }
0x50: {  	s26 =	simm.s32 $0x280;
	s30 =	sadd.s32 s7, s29;
	_ =	swait.ge [sflag:s23], $0x4000  }
0x51: {  	s29 =	simm.s32 $0x380;
	s30 =	sor.u32 s28, s30;
	[sflag:s23] =	ssyncset.done $0x0  }
.LBB2_2:
0x52: {  	s30 =	sshrl.u32 s30, $0x3  }
0x53: {  	[sflag:s23] =	ssyncadd.s32 $0xFFFFC000;
	s31 =	smov.u32 s29;
	s28 =	sadd.s32 $0x100, s29  }
0x54: {  	[spmem:s2] =	stream.indirect.scatter.add.f32 [tilespmem:s21], [sflag:$0x3], $0x80, s18, s20, $0xb8;
	[tilespmem:$0x1C200] =	vst v63  }
0x55: {  	p0 =	sne.s32 s29, $0x4E80;
	_ =	swait.ge [sflag:s17], $0x4000  }
0x56: {  	[sflag:s17] =	ssyncset.done $0x0  }
0x57: {  	s29 =	sadd.s32 s5, s30;
	[sflag:s17] =	ssyncadd.s32 $0xFFFFC000  }
0x58: {  	[tilespmem:s3], [sflag:$0x2] =	stream.linear.gather [hbm4b:s29+s3], $0x80, $0x38;
	[tilespmem:$0x1C200] =	vst v63  }
0x59: {  	s29 =	sadd.s32 s6, s30  }
0x5a: {  	[tilespmem:s18], [sflag:$0x2] =	stream.linear.gather [hbm4b:s29+s3], $0x80, $0x38;
	[tilespmem:$0x1C200] =	vst v63  }
0x5b: {  	_ =	swait.ge [sflag:s19], $0x80  }
0x5c: {  	[sflag:s19] =	ssyncset.done $0x0  }
0x5d: {  	[sflag:s19] =	ssyncadd.s32 $0xFFFFFF80  }
0x5e: {  	_ =	swait.ge [sflag:s19], $0x80  }
0x5f: {  	[sflag:s19] =	ssyncset.done $0x0  }
0x60: {  	[sflag:s19] =	ssyncadd.s32 $0xFFFFFF80  }
0x61: {  	[tilespmem:s21], [sflag:$0x1] =	stream.indirect.gather [hbm4b:s4+s20], $0x80, s3, s20, $0xb8;
	[tilespmem:$0x1C200] =	vst v63  }
0x62: {  	_ =	swait.ge [sflag:s23], $0x4000  }
0x63: {  	[sflag:s23] =	ssyncset.done $0x0  }
0x64: {  	s29 =	sand.u32 $0xFC00, s26;
	[sflag:s23] =	ssyncadd.s32 $0xFFFFC000  }
0x65: {  	[spmem:s2] =	stream.indirect.scatter.add.f32 [tilespmem:s22], [sflag:$0x3], $0x80, s24, s20, $0xb8;
	[tilespmem:$0x1C200] =	vst v63  }
0x66: {  	s26 =	sand.u32 $0x380, s26;
	s29 =	sadd.s32 s7, s29;
	_ =	swait.ge [sflag:s17], $0x4000  }
0x67: {  	s29 =	sor.u32 s26, s29;
	s26 =	smov.u32 s31;
	[sflag:s17] =	ssyncset.done $0x0  }
0x68: {  	s29 =	sshrl.u32 s29, $0x3;
	[sflag:s17] =	ssyncadd.s32 $0xFFFFC000  }
0x69: {  	s30 =	sadd.s32 s5, s29  }
0x6a: {  	[tilespmem:s20], [sflag:$0x2] =	stream.linear.gather [hbm4b:s30+s3], $0x80, $0x38;
	[tilespmem:$0x1C200] =	vst v63  }
0x6b: {  	s29 =	sadd.s32 s6, s29  }
0x6c: {  	[tilespmem:s24], [sflag:$0x2] =	stream.linear.gather [hbm4b:s29+s3], $0x80, $0x38;
	[tilespmem:$0x1C200] =	vst v63  }
0x6d: {  	_ =	swait.ge [sflag:s19], $0x80  }
0x6e: {  	[sflag:s19] =	ssyncset.done $0x0  }
0x6f: {  	[sflag:s19] =	ssyncadd.s32 $0xFFFFFF80  }
0x70: {  	_ =	swait.ge [sflag:s19], $0x80  }
.Ltmp0:
0x71: {  	s29 =	sadd.s32 $0xFFFFFF80, s26;
	[sflag:s19] =	ssyncset.done $0x0;
	(pc) =	sbr.rel @p0 .LBB2_2-.Ltmp0, $4  }
0x72: {  	s30 =	sand.u32 $0xFC00, s29;
	[sflag:s19] =	ssyncadd.s32 $0xFFFFFF80  }
0x73: {  	[tilespmem:s22], [sflag:$0x1] =	stream.indirect.gather [hbm4b:s4+s20], $0x80, s20, s20, $0xb8;
	[tilespmem:$0x1C200] =	vst v63  }
0x74: {  	s29 =	sand.u32 $0x300, s29;
	s30 =	sadd.s32 s7, s30;
	_ =	swait.ge [sflag:s23], $0x4000  }
0x75: {  	s30 =	sor.u32 s29, s30;
	s29 =	smov.u32 s28;
	[sflag:s23] =	ssyncset.done $0x0  }
0x76: {  	[sflag:s23] =	ssyncadd.s32 $0xFFFFC000  }
0x77: {  	[spmem:s2] =	stream.indirect.scatter.add.f32 [tilespmem:s21], [sflag:$0x3], $0x80, s18, s20, $0xb8;
	[tilespmem:$0x1C200] =	vst v63  }
0x78: {  	_ =	swait.ge [sflag:s17], $0x4000  }
0x79: {  	s28 =	sshrl.u32 s30, $0x3;
	[sflag:s17] =	ssyncset.done $0x0  }
0x7a: {  	s29 =	sadd.s32 s5, s28;
	[sflag:s17] =	ssyncadd.s32 $0xFFFFC000  }
0x7b: {  	[tilespmem:s3], [sflag:$0x2] =	stream.linear.gather [hbm4b:s29+s3], $0x80, $0x38;
	[tilespmem:$0x1C200] =	vst v63  }
0x7c: {  	s28 =	sadd.s32 s6, s28  }
0x7d: {  	[tilespmem:s18], [sflag:$0x2] =	stream.linear.gather [hbm4b:s28+s3], $0x80, $0x38;
	[tilespmem:$0x1C200] =	vst v63  }
0x7e: {  	_ =	swait.ge [sflag:s19], $0x80  }
0x7f: {  	[sflag:s19] =	ssyncset.done $0x0  }
0x80: {  	[sflag:s19] =	ssyncadd.s32 $0xFFFFFF80  }
0x81: {  	_ =	swait.ge [sflag:s19], $0x80  }
0x82: {  	[sflag:s19] =	ssyncset.done $0x0  }
0x83: {  	[sflag:s19] =	ssyncadd.s32 $0xFFFFFF80  }
0x84: {  	[tilespmem:s21], [sflag:$0x1] =	stream.indirect.gather [hbm4b:s4+s20], $0x80, s3, s20, $0xb8;
	[tilespmem:$0x1C200] =	vst v63  }
0x85: {  	_ =	swait.ge [sflag:s23], $0x4000  }
0x86: {  	s29 =	sand.u32 $0xFC00, s26;
	[sflag:s23] =	ssyncset.done $0x0  }
0x87: {  	s30 =	sand.u32 $0x380, s26;
	s28 =	sadd.s32 s7, s29;
	[sflag:s23] =	ssyncadd.s32 $0xFFFFC000  }
0x88: {  	[spmem:s2] =	stream.indirect.scatter.add.f32 [tilespmem:s22], [sflag:$0x3], $0x80, s24, s20, $0xb8;
	[tilespmem:$0x1C200] =	vst v63  }
0x89: {  	s26 =	sor.u32 s30, s28;
	_ =	swait.ge [sflag:s17], $0x4000  }
0x8a: {  	s26 =	sshrl.u32 s26, $0x3;
	[sflag:s17] =	ssyncset.done $0x0  }
0x8b: {  	s31 =	sadd.s32 s5, s26;
	[sflag:s17] =	ssyncadd.s32 $0xFFFFC000  }
0x8c: {  	[tilespmem:s20], [sflag:$0x2] =	stream.linear.gather [hbm4b:s31+s3], $0x80, $0x38;
	[tilespmem:$0x1C200] =	vst v63  }
0x8d: {  	s26 =	sadd.s32 s6, s26  }
0x8e: {  	[tilespmem:s24], [sflag:$0x2] =	stream.linear.gather [hbm4b:s26+s3], $0x80, $0x38;
	[tilespmem:$0x1C200] =	vst v63  }
0x8f: {  	_ =	swait.ge [sflag:s19], $0x80  }
0x90: {  	[sflag:s19] =	ssyncset.done $0x0  }
0x91: {  	[sflag:s19] =	ssyncadd.s32 $0xFFFFFF80  }
0x92: {  	_ =	swait.ge [sflag:s19], $0x80  }
0x93: {  	[sflag:s19] =	ssyncset.done $0x0  }
0x94: {  	[sflag:s19] =	ssyncadd.s32 $0xFFFFFF80  }
0x95: {  	[tilespmem:s22], [sflag:$0x1] =	stream.indirect.gather [hbm4b:s4+s20], $0x80, s20, s20, $0xb8;
	[tilespmem:$0x1C200] =	vst v63  }
0x96: {  	_ =	swait.ge [sflag:s23], $0x4000  }
0x97: {  	[sflag:s23] =	ssyncset.done $0x0  }
0x98: {  	[sflag:s23] =	ssyncadd.s32 $0xFFFFC000  }
0x99: {  	[spmem:s2] =	stream.indirect.scatter.add.f32 [tilespmem:s21], [sflag:$0x3], $0x80, s18, s20, $0xb8;
	[tilespmem:$0x1C200] =	vst v63  }
0x9a: {  	_ =	swait.ge [sflag:s17], $0x4000  }
0x9b: {  	[sflag:s17] =	ssyncset.done $0x0  }
0x9c: {  	[sflag:s17] =	ssyncadd.s32 $0xFFFFC000  }
0x9d: {  	_ =	swait.ge [sflag:s23], $0x4000  }
0x9e: {  	[sflag:s23] =	ssyncset.done $0x0  }
0x9f: {  	[sflag:s23] =	ssyncadd.s32 $0xFFFFC000  }
0xa0: {  	[spmem:s2] =	stream.indirect.scatter.add.f32 [tilespmem:s22], [sflag:$0x3], $0x80, s24, s20, $0xb8;
	[tilespmem:$0x1C200] =	vst v63  }
0xa1: {  	_ =	swait.ge [sflag:s17], $0x4000  }
0xa2: {  	s25 =	sadd.s32 $0x1, s25;
	[sflag:s17] =	ssyncset.done $0x0  }
0xa3: {  	p0 =	sne.s32 s25, s13;
	[sflag:s17] =	ssyncadd.s32 $0xFFFFC000  }
.Ltmp1:
0xa4: {  	[bflag:$0x0] =	sbarrier.arrive $0xFFFF;
	(pc) =	sbr.rel @p0 .LBB2_1-.Ltmp1, $4  }
0xa5: {  	[hbm:s12], [sflag:s9] =	dma.local [spmem:s16], $0x2800  }
0xa6: {  	_ =	swait.ge [sflag:s17], $0x2800  }
0xa7: {  	[sflag:s17] =	ssyncset.done $0x0  }
0xa8: {  	[sflag:s17] =	ssyncadd.s32 $0xFFFFD800  }
0xa9: {  	_ =	sfence.sel $0x180000  }
0xaa: {  	[bflag:$0x0] =	sbarrier.arrive $0xFFFF  }
0xab: {  	p0 =	sne.s32 s1, $0x0;
	_ =	strace $0x90000047  }
0xac: {  	s0 =	sadd.s32 @!p0 $0x100000, s0;
	[bflag:$0x2] =	sbarrier.arrive $0xFFFF  }
0xad: {  	[sflag:s0] =	ssyncadd.tile.s32 @!p0 $0x1;
	_ =	shalt  }
.Lfunc_end2:
_tile_overlayer_lowered:
.L_overlay_start_2:
0xae: {  	(tag) =	ssettag $0x2  }
0xaf: {  	s0 =	rddreg [dreg:$0x0];
	s2 =	stileid.u32  }
0xb0: {  	s1 =	rddreg [dreg:$0x1];
	p0 =	sne.s32 s2, $0x0  }
0xb1: {  	s3 =	rddreg [dreg:$0x2];
	[bflag:$0x3] =	sbarrier.arrive $0xFFFF;
	s2 =	simm.s32 @!p0 $0x1C03  }
0xb2: {  	[timem:s3], [sflag:s2] =	dma.local @!p0 [hbm:s0], s1  }
0xb3: {  	s0 =	simm.s32 @!p0 $0x3  }
0xb4: {  	_ =	swait.ge @!p0 [sflag:s0], s1  }
0xb5: {  	s1 =	ssub.s32 @!p0 $0x0, s1;
	[sflag:s0] =	ssyncset.done @!p0 $0x0  }
0xb6: {  	[sflag:s0] =	ssyncadd.s32 @!p0 s1  }
0xb7: {  	[bflag:$0x3] =	sbarrier.arrive $0xFFFF  }
0xb8: {  	_ =	shalt  }

</sc_bundles>
